<compile_context>
chip_gen: v7x
topology: tpu7x:2x2x1
jax: 0.10.2.dev20260603
libtpu: 0.0.44.dev20260713+nightly
codegen_flags: <defaults>
</compile_context>

<pallas_src>
import jax
import jax.numpy as jnp
from jax import lax
from jax.experimental import pallas as pl
from jax.experimental.pallas import tpu as pltpu
from jax.experimental.pallas import tpu_sc as plsc

NUM_EMB = 1_000_000
DIM = 32
BATCH = 16384
HIST = 50

NC, NS = 2, 16
NW = NC * NS
WB = BATCH // NW
N_STREAM = WB // 128
BB = WB // 16


def _body(idx_hbm, wr_hbm, wi_hbm, outr_hbm, outi_hbm,
          idx_v, rows_r, rows_i, out_vr, out_vi, sem_g):
    wid = lax.axis_index("s") * NC + lax.axis_index("c")
    wb0 = wid * WB
    pltpu.sync_copy(idx_hbm.at[:, pl.ds(wb0, WB)], idx_v)
    iota = lax.iota(jnp.int32, 16)

    @pl.loop(0, HIST)
    def _per_h(h):
        gathers = []
        for s in range(N_STREAM):
            rng = pl.ds(s * 128, 128)
            gathers.append(pltpu.async_copy(
                wr_hbm.at[idx_v.at[h, rng]], rows_r.at[rng], sem_g))
            gathers.append(pltpu.async_copy(
                wi_hbm.at[idx_v.at[h, rng]], rows_i.at[rng], sem_g))
        for cp in gathers:
            cp.wait()

        for rows_v, out_v in ((rows_r, out_vr), (rows_i, out_vi)):
            @pl.loop(0, BB)
            def _per_bb(bb):
                bvec = bb * 16 + iota
                for d in range(DIM):
                    out_v[d, pl.ds(bb * 16, 16)] = plsc.load_gather(
                        rows_v, [bvec, jnp.full((16,), d, jnp.int32)])

        pltpu.sync_copy(
            out_vr, outr_hbm.at[pl.ds(h * DIM, DIM), pl.ds(wb0, WB)])
        pltpu.sync_copy(
            out_vi, outi_hbm.at[pl.ds(h * DIM, DIM), pl.ds(wb0, WB)])


@jax.jit
def _run(idx2d, w_real, w_imag):
    mesh = plsc.VectorSubcoreMesh(
        core_axis_name="c", subcore_axis_name="s",
        num_cores=NC, num_subcores=NS)
    f = pl.kernel(
        _body,
        out_type=[
            jax.ShapeDtypeStruct((HIST * DIM, BATCH), jnp.float32),
            jax.ShapeDtypeStruct((HIST * DIM, BATCH), jnp.float32),
        ],
        mesh=mesh,
        scratch_types=[
            pltpu.VMEM((HIST, WB), jnp.int32),
            pltpu.VMEM((WB, DIM), jnp.float32),
            pltpu.VMEM((WB, DIM), jnp.float32),
            pltpu.VMEM((DIM, WB), jnp.float32),
            pltpu.VMEM((DIM, WB), jnp.float32),
            pltpu.SemaphoreType.DMA,
        ],
        compiler_params=pltpu.CompilerParams(
            use_tc_tiling_on_sc=False, needs_layout_passes=False),
    )
    return f(idx2d, w_real, w_imag)


def kernel(input, W_real, W_imag):
    idx2d = input.T
    zr, zi = _run(idx2d, W_real, W_imag)
    r = zr.reshape(HIST, DIM, BATCH)
    i = zi.reshape(HIST, DIM, BATCH)
    c = lax.complex(r, i)
    return jnp.transpose(c, (2, 0, 1))

# --- scband reference (transcript-rebuilt; emitter-appended) ---
"""Pipeline reference for scband-complex-embedding-31903017074954 (READ-ONLY COPY).

The authoritative reference and input builder live on the scoring server;
editing this copy changes nothing except your own understanding.
"""

import jax, jax.numpy as jnp
import numpy as np

NUM_EMBEDDINGS = 1000000
EMBEDDING_DIM = 32
BATCH = 16384
HIST = 50


def setup_inputs(seed: int = 0) -> dict:
    key = jax.random.key(seed)
    k1, k2, k3 = jax.random.split(key, 3)
    inp = jax.random.randint(k1, (BATCH, HIST), 0, NUM_EMBEDDINGS, dtype=jnp.int32)
    W_real = jax.random.normal(k2, (NUM_EMBEDDINGS, EMBEDDING_DIM), dtype=jnp.float32)
    W_imag = jax.random.normal(k3, (NUM_EMBEDDINGS, EMBEDDING_DIM), dtype=jnp.float32)
    return {"input": inp, "W_real": W_real, "W_imag": W_imag}


def reference(input, W_real, W_imag):
    # embed_real(input), embed_imag(input)
    r = jnp.take(W_real, input, axis=0)
    i = jnp.take(W_imag, input, axis=0)
    # torch.complex(r, i)
    return jax.lax.complex(r, i)

if __name__ == "__main__":
    import jax
    _d = setup_inputs()
    print(jax.jit(kernel)(*tuple(_d.values())))

</pallas_src>

<mosaic_0001>
#map = affine_map<(d0, d1) -> (0, 0)>
module attributes {stable_mosaic.version = 14 : i64} {
  func.func @_body(%arg0: i32, %arg1: i32, %arg2: memref<50x16384xi32, #tpu.memory_space<hbm>>, %arg3: memref<1000000x32xf32, #tpu.memory_space<hbm>>, %arg4: memref<1000000x32xf32, #tpu.memory_space<hbm>>, %arg5: memref<1600x16384xf32, #tpu.memory_space<hbm>>, %arg6: memref<1600x16384xf32, #tpu.memory_space<hbm>>, %arg7: memref<50x512xi32, #tpu.memory_space<vmem>>, %arg8: memref<512x32xf32, #tpu.memory_space<vmem>>, %arg9: memref<512x32xf32, #tpu.memory_space<vmem>>, %arg10: memref<32x512xf32, #tpu.memory_space<vmem>>, %arg11: memref<32x512xf32, #tpu.memory_space<vmem>>, %arg12: memref<!tpu.dma_semaphore, #tpu.memory_space<semaphore_mem>>) attributes {dimension_semantics = [#tpu.dimension_semantics<core_parallel>, #tpu.dimension_semantics<subcore_parallel>], iteration_bounds = array<i64: 2, 16>, scalar_prefetch = 0 : i64, scratch_operands = 6 : i64, tpu.core_type = #tpu.core_type<sc_vector_subcore>, window_params = [{transform_indices = #map}, {transform_indices = #map}, {transform_indices = #map}, {transform_indices = #map}, {transform_indices = #map}]} {
    %mul3A = arith.constant 2 : i32
    %mul3A_0 = arith.muli %arg1, %mul3A : i32
    %add3A = arith.addi %mul3A_0, %arg0 : i32
    %mul3A_1 = arith.constant 512 : i32
    %mul3A_2 = arith.muli %add3A, %mul3A_1 : i32
    "tpu.region"() ({
      %run_scoped3A = tpu.sem_alloc : memref<!tpu.dma_semaphore, #tpu.memory_space<semaphore_mem>>
      %dma_start3A = arith.constant 0 : i32
      %dma_start3A_7 = tpu.memref_slice %arg2[%dma_start3A, %mul3A_2] : memref<50x16384xi32, #tpu.memory_space<hbm>> -> memref<50x512xi32, #tpu.memory_space<hbm>>
      %dma_start3A_8 = arith.constant 0 : i32
      %dma_start3A_9 = tpu.memref_slice %arg2[%dma_start3A_8, %mul3A_2] : memref<50x16384xi32, #tpu.memory_space<hbm>> -> memref<50x512xi32, #tpu.memory_space<hbm>>
      tpu.enqueue_dma source(%dma_start3A_9 : memref<50x512xi32, #tpu.memory_space<hbm>>) target(%arg7 : memref<50x512xi32, #tpu.memory_space<vmem>>) target_semaphore(%run_scoped3A : memref<!tpu.dma_semaphore, #tpu.memory_space<semaphore_mem>>)
      %dma_wait3A = arith.constant 0 : i32
      %dma_wait3A_10 = tpu.memref_slice %arg2[%dma_wait3A, %mul3A_2] : memref<50x16384xi32, #tpu.memory_space<hbm>> -> memref<50x512xi32, #tpu.memory_space<hbm>>
      %dma_wait3A_11 = arith.constant 0 : i32
      %dma_wait3A_12 = tpu.memref_slice %arg2[%dma_wait3A_11, %mul3A_2] : memref<50x16384xi32, #tpu.memory_space<hbm>> -> memref<50x512xi32, #tpu.memory_space<hbm>>
      tpu.wait_dma2 semaphore(%run_scoped3A : memref<!tpu.dma_semaphore, #tpu.memory_space<semaphore_mem>>) src(%dma_wait3A_12 : memref<50x512xi32, #tpu.memory_space<hbm>>) dst(%arg7 : memref<50x512xi32, #tpu.memory_space<vmem>>)
      tpu.yield
    }) : () -> ()
    %iota3A = tpu.iota {dimensions = array<i32: 0>} : vector<16xi32>
    %scan3A = arith.constant 0 : i32
    %scan3A_3 = arith.constant 50 : i32
    %scan3A_4 = arith.addi %scan3A, %scan3A_3 : i32
    %scan3A_5 = arith.constant 1 : i32
    scf.for %scan3A_7 = %scan3A to %scan3A_4 step %scan3A_5  : i32 {
      %mul3A_8 = arith.constant 1 : i32
      %mul3A_9 = arith.muli %scan3A_7, %mul3A_8 : i32
      %add3A_10 = arith.constant 0 : i32
      %add3A_11 = arith.addi %add3A_10, %mul3A_9 : i32
      %dma_start3A = arith.constant 0 : i32
      %dma_start3A_12 = arith.constant 0 : i32
      %dma_start3A_13 = tpu.memref_slice %arg8[%dma_start3A, %dma_start3A_12] : memref<512x32xf32, #tpu.memory_space<vmem>> -> memref<128x32xf32, #tpu.memory_space<vmem>>
      %dma_start3A_14 = arith.constant 0 : i32
      %dma_start3A_15 = tpu.memref_slice %arg7[%add3A_11, %dma_start3A_14] : memref<50x512xi32, #tpu.memory_space<vmem>> -> memref<1x128xi32, #tpu.memory_space<vmem>>
      %dma_start3A_16 = tpu.memref_squeeze %dma_start3A_15 : memref<1x128xi32, #tpu.memory_space<vmem>> -> memref<128xi32, #tpu.memory_space<vmem>>
      %dma_start3A_17 = arith.constant 0 : i32
      %dma_start3A_18 = arith.constant 0 : i32
      %dma_start3A_19 = tpu.memref_slice %arg3[%dma_start3A_17, %dma_start3A_18] : memref<1000000x32xf32, #tpu.memory_space<hbm>> -> memref<1000000x32xf32, #tpu.memory_space<hbm>>
      tpu.enqueue_indirect_dma source(%dma_start3A_19 : memref<1000000x32xf32, #tpu.memory_space<hbm>>) target(%dma_start3A_13 : memref<128x32xf32, #tpu.memory_space<vmem>>) offsets(%dma_start3A_16 : memref<128xi32, #tpu.memory_space<vmem>>) semaphore(%arg12 : memref<!tpu.dma_semaphore, #tpu.memory_space<semaphore_mem>>)
      %dma_start3A_20 = arith.constant 0 : i32
      %dma_start3A_21 = arith.constant 0 : i32
      %dma_start3A_22 = tpu.memref_slice %arg9[%dma_start3A_20, %dma_start3A_21] : memref<512x32xf32, #tpu.memory_space<vmem>> -> memref<128x32xf32, #tpu.memory_space<vmem>>
      %dma_start3A_23 = arith.constant 0 : i32
      %dma_start3A_24 = tpu.memref_slice %arg7[%add3A_11, %dma_start3A_23] : memref<50x512xi32, #tpu.memory_space<vmem>> -> memref<1x128xi32, #tpu.memory_space<vmem>>
      %dma_start3A_25 = tpu.memref_squeeze %dma_start3A_24 : memref<1x128xi32, #tpu.memory_space<vmem>> -> memref<128xi32, #tpu.memory_space<vmem>>
      %dma_start3A_26 = arith.constant 0 : i32
      %dma_start3A_27 = arith.constant 0 : i32
      %dma_start3A_28 = tpu.memref_slice %arg4[%dma_start3A_26, %dma_start3A_27] : memref<1000000x32xf32, #tpu.memory_space<hbm>> -> memref<1000000x32xf32, #tpu.memory_space<hbm>>
      tpu.enqueue_indirect_dma source(%dma_start3A_28 : memref<1000000x32xf32, #tpu.memory_space<hbm>>) target(%dma_start3A_22 : memref<128x32xf32, #tpu.memory_space<vmem>>) offsets(%dma_start3A_25 : memref<128xi32, #tpu.memory_space<vmem>>) semaphore(%arg12 : memref<!tpu.dma_semaphore, #tpu.memory_space<semaphore_mem>>)
      %dma_start3A_29 = arith.constant 128 : i32
      %dma_start3A_30 = arith.constant 0 : i32
      %dma_start3A_31 = tpu.memref_slice %arg8[%dma_start3A_29, %dma_start3A_30] : memref<512x32xf32, #tpu.memory_space<vmem>> -> memref<128x32xf32, #tpu.memory_space<vmem>>
      %dma_start3A_32 = arith.constant 128 : i32
      %dma_start3A_33 = tpu.memref_slice %arg7[%add3A_11, %dma_start3A_32] : memref<50x512xi32, #tpu.memory_space<vmem>> -> memref<1x128xi32, #tpu.memory_space<vmem>>
      %dma_start3A_34 = tpu.memref_squeeze %dma_start3A_33 : memref<1x128xi32, #tpu.memory_space<vmem>> -> memref<128xi32, #tpu.memory_space<vmem>>
      %dma_start3A_35 = arith.constant 0 : i32
      %dma_start3A_36 = arith.constant 0 : i32
      %dma_start3A_37 = tpu.memref_slice %arg3[%dma_start3A_35, %dma_start3A_36] : memref<1000000x32xf32, #tpu.memory_space<hbm>> -> memref<1000000x32xf32, #tpu.memory_space<hbm>>
      tpu.enqueue_indirect_dma source(%dma_start3A_37 : memref<1000000x32xf32, #tpu.memory_space<hbm>>) target(%dma_start3A_31 : memref<128x32xf32, #tpu.memory_space<vmem>>) offsets(%dma_start3A_34 : memref<128xi32, #tpu.memory_space<vmem>>) semaphore(%arg12 : memref<!tpu.dma_semaphore, #tpu.memory_space<semaphore_mem>>)
      %dma_start3A_38 = arith.constant 128 : i32
      %dma_start3A_39 = arith.constant 0 : i32
      %dma_start3A_40 = tpu.memref_slice %arg9[%dma_start3A_38, %dma_start3A_39] : memref<512x32xf32, #tpu.memory_space<vmem>> -> memref<128x32xf32, #tpu.memory_space<vmem>>
      %dma_start3A_41 = arith.constant 128 : i32
      %dma_start3A_42 = tpu.memref_slice %arg7[%add3A_11, %dma_start3A_41] : memref<50x512xi32, #tpu.memory_space<vmem>> -> memref<1x128xi32, #tpu.memory_space<vmem>>
      %dma_start3A_43 = tpu.memref_squeeze %dma_start3A_42 : memref<1x128xi32, #tpu.memory_space<vmem>> -> memref<128xi32, #tpu.memory_space<vmem>>
      %dma_start3A_44 = arith.constant 0 : i32
      %dma_start3A_45 = arith.constant 0 : i32
      %dma_start3A_46 = tpu.memref_slice %arg4[%dma_start3A_44, %dma_start3A_45] : memref<1000000x32xf32, #tpu.memory_space<hbm>> -> memref<1000000x32xf32, #tpu.memory_space<hbm>>
      tpu.enqueue_indirect_dma source(%dma_start3A_46 : memref<1000000x32xf32, #tpu.memory_space<hbm>>) target(%dma_start3A_40 : memref<128x32xf32, #tpu.memory_space<vmem>>) offsets(%dma_start3A_43 : memref<128xi32, #tpu.memory_space<vmem>>) semaphore(%arg12 : memref<!tpu.dma_semaphore, #tpu.memory_space<semaphore_mem>>)
      %dma_start3A_47 = arith.constant 256 : i32
      %dma_start3A_48 = arith.constant 0 : i32
      %dma_start3A_49 = tpu.memref_slice %arg8[%dma_start3A_47, %dma_start3A_48] : memref<512x32xf32, #tpu.memory_space<vmem>> -> memref<128x32xf32, #tpu.memory_space<vmem>>
      %dma_start3A_50 = arith.constant 256 : i32
      %dma_start3A_51 = tpu.memref_slice %arg7[%add3A_11, %dma_start3A_50] : memref<50x512xi32, #tpu.memory_space<vmem>> -> memref<1x128xi32, #tpu.memory_space<vmem>>
      %dma_start3A_52 = tpu.memref_squeeze %dma_start3A_51 : memref<1x128xi32, #tpu.memory_space<vmem>> -> memref<128xi32, #tpu.memory_space<vmem>>
      %dma_start3A_53 = arith.constant 0 : i32
      %dma_start3A_54 = arith.constant 0 : i32
      %dma_start3A_55 = tpu.memref_slice %arg3[%dma_start3A_53, %dma_start3A_54] : memref<1000000x32xf32, #tpu.memory_space<hbm>> -> memref<1000000x32xf32, #tpu.memory_space<hbm>>
      tpu.enqueue_indirect_dma source(%dma_start3A_55 : memref<1000000x32xf32, #tpu.memory_space<hbm>>) target(%dma_start3A_49 : memref<128x32xf32, #tpu.memory_space<vmem>>) offsets(%dma_start3A_52 : memref<128xi32, #tpu.memory_space<vmem>>) semaphore(%arg12 : memref<!tpu.dma_semaphore, #tpu.memory_space<semaphore_mem>>)
      %dma_start3A_56 = arith.constant 256 : i32
      %dma_start3A_57 = arith.constant 0 : i32
      %dma_start3A_58 = tpu.memref_slice %arg9[%dma_start3A_56, %dma_start3A_57] : memref<512x32xf32, #tpu.memory_space<vmem>> -> memref<128x32xf32, #tpu.memory_space<vmem>>
      %dma_start3A_59 = arith.constant 256 : i32
      %dma_start3A_60 = tpu.memref_slice %arg7[%add3A_11, %dma_start3A_59] : memref<50x512xi32, #tpu.memory_space<vmem>> -> memref<1x128xi32, #tpu.memory_space<vmem>>
      %dma_start3A_61 = tpu.memref_squeeze %dma_start3A_60 : memref<1x128xi32, #tpu.memory_space<vmem>> -> memref<128xi32, #tpu.memory_space<vmem>>
      %dma_start3A_62 = arith.constant 0 : i32
      %dma_start3A_63 = arith.constant 0 : i32
      %dma_start3A_64 = tpu.memref_slice %arg4[%dma_start3A_62, %dma_start3A_63] : memref<1000000x32xf32, #tpu.memory_space<hbm>> -> memref<1000000x32xf32, #tpu.memory_space<hbm>>
      tpu.enqueue_indirect_dma source(%dma_start3A_64 : memref<1000000x32xf32, #tpu.memory_space<hbm>>) target(%dma_start3A_58 : memref<128x32xf32, #tpu.memory_space<vmem>>) offsets(%dma_start3A_61 : memref<128xi32, #tpu.memory_space<vmem>>) semaphore(%arg12 : memref<!tpu.dma_semaphore, #tpu.memory_space<semaphore_mem>>)
      %dma_start3A_65 = arith.constant 384 : i32
      %dma_start3A_66 = arith.constant 0 : i32
      %dma_start3A_67 = tpu.memref_slice %arg8[%dma_start3A_65, %dma_start3A_66] : memref<512x32xf32, #tpu.memory_space<vmem>> -> memref<128x32xf32, #tpu.memory_space<vmem>>
      %dma_start3A_68 = arith.constant 384 : i32
      %dma_start3A_69 = tpu.memref_slice %arg7[%add3A_11, %dma_start3A_68] : memref<50x512xi32, #tpu.memory_space<vmem>> -> memref<1x128xi32, #tpu.memory_space<vmem>>
      %dma_start3A_70 = tpu.memref_squeeze %dma_start3A_69 : memref<1x128xi32, #tpu.memory_space<vmem>> -> memref<128xi32, #tpu.memory_space<vmem>>
      %dma_start3A_71 = arith.constant 0 : i32
      %dma_start3A_72 = arith.constant 0 : i32
      %dma_start3A_73 = tpu.memref_slice %arg3[%dma_start3A_71, %dma_start3A_72] : memref<1000000x32xf32, #tpu.memory_space<hbm>> -> memref<1000000x32xf32, #tpu.memory_space<hbm>>
      tpu.enqueue_indirect_dma source(%dma_start3A_73 : memref<1000000x32xf32, #tpu.memory_space<hbm>>) target(%dma_start3A_67 : memref<128x32xf32, #tpu.memory_space<vmem>>) offsets(%dma_start3A_70 : memref<128xi32, #tpu.memory_space<vmem>>) semaphore(%arg12 : memref<!tpu.dma_semaphore, #tpu.memory_space<semaphore_mem>>)
      %dma_start3A_74 = arith.constant 384 : i32
      %dma_start3A_75 = arith.constant 0 : i32
      %dma_start3A_76 = tpu.memref_slice %arg9[%dma_start3A_74, %dma_start3A_75] : memref<512x32xf32, #tpu.memory_space<vmem>> -> memref<128x32xf32, #tpu.memory_space<vmem>>
      %dma_start3A_77 = arith.constant 384 : i32
      %dma_start3A_78 = tpu.memref_slice %arg7[%add3A_11, %dma_start3A_77] : memref<50x512xi32, #tpu.memory_space<vmem>> -> memref<1x128xi32, #tpu.memory_space<vmem>>
      %dma_start3A_79 = tpu.memref_squeeze %dma_start3A_78 : memref<1x128xi32, #tpu.memory_space<vmem>> -> memref<128xi32, #tpu.memory_space<vmem>>
      %dma_start3A_80 = arith.constant 0 : i32
      %dma_start3A_81 = arith.constant 0 : i32
      %dma_start3A_82 = tpu.memref_slice %arg4[%dma_start3A_80, %dma_start3A_81] : memref<1000000x32xf32, #tpu.memory_space<hbm>> -> memref<1000000x32xf32, #tpu.memory_space<hbm>>
      tpu.enqueue_indirect_dma source(%dma_start3A_82 : memref<1000000x32xf32, #tpu.memory_space<hbm>>) target(%dma_start3A_76 : memref<128x32xf32, #tpu.memory_space<vmem>>) offsets(%dma_start3A_79 : memref<128xi32, #tpu.memory_space<vmem>>) semaphore(%arg12 : memref<!tpu.dma_semaphore, #tpu.memory_space<semaphore_mem>>)
      %dma_wait3A = arith.constant 0 : i32
      %dma_wait3A_83 = arith.constant 0 : i32
      %dma_wait3A_84 = tpu.memref_slice %arg8[%dma_wait3A, %dma_wait3A_83] : memref<512x32xf32, #tpu.memory_space<vmem>> -> memref<128x32xf32, #tpu.memory_space<vmem>>
      %dma_wait3A_85 = arith.constant 0 : i32
      %dma_wait3A_86 = tpu.memref_slice %arg7[%add3A_11, %dma_wait3A_85] : memref<50x512xi32, #tpu.memory_space<vmem>> -> memref<1x128xi32, #tpu.memory_space<vmem>>
      %dma_wait3A_87 = tpu.memref_squeeze %dma_wait3A_86 : memref<1x128xi32, #tpu.memory_space<vmem>> -> memref<128xi32, #tpu.memory_space<vmem>>
      %dma_wait3A_88 = arith.constant 0 : i32
      %dma_wait3A_89 = arith.constant 0 : i32
      %dma_wait3A_90 = tpu.memref_slice %arg3[%dma_wait3A_88, %dma_wait3A_89] : memref<1000000x32xf32, #tpu.memory_space<hbm>> -> memref<1000000x32xf32, #tpu.memory_space<hbm>>
      tpu.wait_indirect_dma semaphore(%arg12 : memref<!tpu.dma_semaphore, #tpu.memory_space<semaphore_mem>>) src(%dma_wait3A_90 : memref<1000000x32xf32, #tpu.memory_space<hbm>>) dst(%dma_wait3A_84 : memref<128x32xf32, #tpu.memory_space<vmem>>)
      %dma_wait3A_91 = arith.constant 0 : i32
      %dma_wait3A_92 = arith.constant 0 : i32
      %dma_wait3A_93 = tpu.memref_slice %arg9[%dma_wait3A_91, %dma_wait3A_92] : memref<512x32xf32, #tpu.memory_space<vmem>> -> memref<128x32xf32, #tpu.memory_space<vmem>>
      %dma_wait3A_94 = arith.constant 0 : i32
      %dma_wait3A_95 = tpu.memref_slice %arg7[%add3A_11, %dma_wait3A_94] : memref<50x512xi32, #tpu.memory_space<vmem>> -> memref<1x128xi32, #tpu.memory_space<vmem>>
      %dma_wait3A_96 = tpu.memref_squeeze %dma_wait3A_95 : memref<1x128xi32, #tpu.memory_space<vmem>> -> memref<128xi32, #tpu.memory_space<vmem>>
      %dma_wait3A_97 = arith.constant 0 : i32
      %dma_wait3A_98 = arith.constant 0 : i32
      %dma_wait3A_99 = tpu.memref_slice %arg4[%dma_wait3A_97, %dma_wait3A_98] : memref<1000000x32xf32, #tpu.memory_space<hbm>> -> memref<1000000x32xf32, #tpu.memory_space<hbm>>
      tpu.wait_indirect_dma semaphore(%arg12 : memref<!tpu.dma_semaphore, #tpu.memory_space<semaphore_mem>>) src(%dma_wait3A_99 : memref<1000000x32xf32, #tpu.memory_space<hbm>>) dst(%dma_wait3A_93 : memref<128x32xf32, #tpu.memory_space<vmem>>)
      %dma_wait3A_100 = arith.constant 128 : i32
      %dma_wait3A_101 = arith.constant 0 : i32
      %dma_wait3A_102 = tpu.memref_slice %arg8[%dma_wait3A_100, %dma_wait3A_101] : memref<512x32xf32, #tpu.memory_space<vmem>> -> memref<128x32xf32, #tpu.memory_space<vmem>>
      %dma_wait3A_103 = arith.constant 128 : i32
      %dma_wait3A_104 = tpu.memref_slice %arg7[%add3A_11, %dma_wait3A_103] : memref<50x512xi32, #tpu.memory_space<vmem>> -> memref<1x128xi32, #tpu.memory_space<vmem>>
      %dma_wait3A_105 = tpu.memref_squeeze %dma_wait3A_104 : memref<1x128xi32, #tpu.memory_space<vmem>> -> memref<128xi32, #tpu.memory_space<vmem>>
      %dma_wait3A_106 = arith.constant 0 : i32
      %dma_wait3A_107 = arith.constant 0 : i32
      %dma_wait3A_108 = tpu.memref_slice %arg3[%dma_wait3A_106, %dma_wait3A_107] : memref<1000000x32xf32, #tpu.memory_space<hbm>> -> memref<1000000x32xf32, #tpu.memory_space<hbm>>
      tpu.wait_indirect_dma semaphore(%arg12 : memref<!tpu.dma_semaphore, #tpu.memory_space<semaphore_mem>>) src(%dma_wait3A_108 : memref<1000000x32xf32, #tpu.memory_space<hbm>>) dst(%dma_wait3A_102 : memref<128x32xf32, #tpu.memory_space<vmem>>)
      %dma_wait3A_109 = arith.constant 128 : i32
      %dma_wait3A_110 = arith.constant 0 : i32
      %dma_wait3A_111 = tpu.memref_slice %arg9[%dma_wait3A_109, %dma_wait3A_110] : memref<512x32xf32, #tpu.memory_space<vmem>> -> memref<128x32xf32, #tpu.memory_space<vmem>>
      %dma_wait3A_112 = arith.constant 128 : i32
      %dma_wait3A_113 = tpu.memref_slice %arg7[%add3A_11, %dma_wait3A_112] : memref<50x512xi32, #tpu.memory_space<vmem>> -> memref<1x128xi32, #tpu.memory_space<vmem>>
      %dma_wait3A_114 = tpu.memref_squeeze %dma_wait3A_113 : memref<1x128xi32, #tpu.memory_space<vmem>> -> memref<128xi32, #tpu.memory_space<vmem>>
      %dma_wait3A_115 = arith.constant 0 : i32
      %dma_wait3A_116 = arith.constant 0 : i32
      %dma_wait3A_117 = tpu.memref_slice %arg4[%dma_wait3A_115, %dma_wait3A_116] : memref<1000000x32xf32, #tpu.memory_space<hbm>> -> memref<1000000x32xf32, #tpu.memory_space<hbm>>
      tpu.wait_indirect_dma semaphore(%arg12 : memref<!tpu.dma_semaphore, #tpu.memory_space<semaphore_mem>>) src(%dma_wait3A_117 : memref<1000000x32xf32, #tpu.memory_space<hbm>>) dst(%dma_wait3A_111 : memref<128x32xf32, #tpu.memory_space<vmem>>)
      %dma_wait3A_118 = arith.constant 256 : i32
      %dma_wait3A_119 = arith.constant 0 : i32
      %dma_wait3A_120 = tpu.memref_slice %arg8[%dma_wait3A_118, %dma_wait3A_119] : memref<512x32xf32, #tpu.memory_space<vmem>> -> memref<128x32xf32, #tpu.memory_space<vmem>>
      %dma_wait3A_121 = arith.constant 256 : i32
      %dma_wait3A_122 = tpu.memref_slice %arg7[%add3A_11, %dma_wait3A_121] : memref<50x512xi32, #tpu.memory_space<vmem>> -> memref<1x128xi32, #tpu.memory_space<vmem>>
      %dma_wait3A_123 = tpu.memref_squeeze %dma_wait3A_122 : memref<1x128xi32, #tpu.memory_space<vmem>> -> memref<128xi32, #tpu.memory_space<vmem>>
      %dma_wait3A_124 = arith.constant 0 : i32
      %dma_wait3A_125 = arith.constant 0 : i32
      %dma_wait3A_126 = tpu.memref_slice %arg3[%dma_wait3A_124, %dma_wait3A_125] : memref<1000000x32xf32, #tpu.memory_space<hbm>> -> memref<1000000x32xf32, #tpu.memory_space<hbm>>
      tpu.wait_indirect_dma semaphore(%arg12 : memref<!tpu.dma_semaphore, #tpu.memory_space<semaphore_mem>>) src(%dma_wait3A_126 : memref<1000000x32xf32, #tpu.memory_space<hbm>>) dst(%dma_wait3A_120 : memref<128x32xf32, #tpu.memory_space<vmem>>)
      %dma_wait3A_127 = arith.constant 256 : i32
      %dma_wait3A_128 = arith.constant 0 : i32
      %dma_wait3A_129 = tpu.memref_slice %arg9[%dma_wait3A_127, %dma_wait3A_128] : memref<512x32xf32, #tpu.memory_space<vmem>> -> memref<128x32xf32, #tpu.memory_space<vmem>>
      %dma_wait3A_130 = arith.constant 256 : i32
      %dma_wait3A_131 = tpu.memref_slice %arg7[%add3A_11, %dma_wait3A_130] : memref<50x512xi32, #tpu.memory_space<vmem>> -> memref<1x128xi32, #tpu.memory_space<vmem>>
      %dma_wait3A_132 = tpu.memref_squeeze %dma_wait3A_131 : memref<1x128xi32, #tpu.memory_space<vmem>> -> memref<128xi32, #tpu.memory_space<vmem>>
      %dma_wait3A_133 = arith.constant 0 : i32
      %dma_wait3A_134 = arith.constant 0 : i32
      %dma_wait3A_135 = tpu.memref_slice %arg4[%dma_wait3A_133, %dma_wait3A_134] : memref<1000000x32xf32, #tpu.memory_space<hbm>> -> memref<1000000x32xf32, #tpu.memory_space<hbm>>
      tpu.wait_indirect_dma semaphore(%arg12 : memref<!tpu.dma_semaphore, #tpu.memory_space<semaphore_mem>>) src(%dma_wait3A_135 : memref<1000000x32xf32, #tpu.memory_space<hbm>>) dst(%dma_wait3A_129 : memref<128x32xf32, #tpu.memory_space<vmem>>)
      %dma_wait3A_136 = arith.constant 384 : i32
      %dma_wait3A_137 = arith.constant 0 : i32
      %dma_wait3A_138 = tpu.memref_slice %arg8[%dma_wait3A_136, %dma_wait3A_137] : memref<512x32xf32, #tpu.memory_space<vmem>> -> memref<128x32xf32, #tpu.memory_space<vmem>>
      %dma_wait3A_139 = arith.constant 384 : i32
      %dma_wait3A_140 = tpu.memref_slice %arg7[%add3A_11, %dma_wait3A_139] : memref<50x512xi32, #tpu.memory_space<vmem>> -> memref<1x128xi32, #tpu.memory_space<vmem>>
      %dma_wait3A_141 = tpu.memref_squeeze %dma_wait3A_140 : memref<1x128xi32, #tpu.memory_space<vmem>> -> memref<128xi32, #tpu.memory_space<vmem>>
      %dma_wait3A_142 = arith.constant 0 : i32
      %dma_wait3A_143 = arith.constant 0 : i32
      %dma_wait3A_144 = tpu.memref_slice %arg3[%dma_wait3A_142, %dma_wait3A_143] : memref<1000000x32xf32, #tpu.memory_space<hbm>> -> memref<1000000x32xf32, #tpu.memory_space<hbm>>
      tpu.wait_indirect_dma semaphore(%arg12 : memref<!tpu.dma_semaphore, #tpu.memory_space<semaphore_mem>>) src(%dma_wait3A_144 : memref<1000000x32xf32, #tpu.memory_space<hbm>>) dst(%dma_wait3A_138 : memref<128x32xf32, #tpu.memory_space<vmem>>)
      %dma_wait3A_145 = arith.constant 384 : i32
      %dma_wait3A_146 = arith.constant 0 : i32
      %dma_wait3A_147 = tpu.memref_slice %arg9[%dma_wait3A_145, %dma_wait3A_146] : memref<512x32xf32, #tpu.memory_space<vmem>> -> memref<128x32xf32, #tpu.memory_space<vmem>>
      %dma_wait3A_148 = arith.constant 384 : i32
      %dma_wait3A_149 = tpu.memref_slice %arg7[%add3A_11, %dma_wait3A_148] : memref<50x512xi32, #tpu.memory_space<vmem>> -> memref<1x128xi32, #tpu.memory_space<vmem>>
      %dma_wait3A_150 = tpu.memref_squeeze %dma_wait3A_149 : memref<1x128xi32, #tpu.memory_space<vmem>> -> memref<128xi32, #tpu.memory_space<vmem>>
      %dma_wait3A_151 = arith.constant 0 : i32
      %dma_wait3A_152 = arith.constant 0 : i32
      %dma_wait3A_153 = tpu.memref_slice %arg4[%dma_wait3A_151, %dma_wait3A_152] : memref<1000000x32xf32, #tpu.memory_space<hbm>> -> memref<1000000x32xf32, #tpu.memory_space<hbm>>
      tpu.wait_indirect_dma semaphore(%arg12 : memref<!tpu.dma_semaphore, #tpu.memory_space<semaphore_mem>>) src(%dma_wait3A_153 : memref<1000000x32xf32, #tpu.memory_space<hbm>>) dst(%dma_wait3A_147 : memref<128x32xf32, #tpu.memory_space<vmem>>)
      %scan3A_154 = arith.constant 0 : i32
      %scan3A_155 = arith.constant 32 : i32
      %scan3A_156 = arith.addi %scan3A_154, %scan3A_155 : i32
      %scan3A_157 = arith.constant 1 : i32
      scf.for %scan3A_168 = %scan3A_154 to %scan3A_156 step %scan3A_157  : i32 {
        %mul3A_169 = arith.constant 1 : i32
        %mul3A_170 = arith.muli %scan3A_168, %mul3A_169 : i32
        %add3A_171 = arith.constant 0 : i32
        %add3A_172 = arith.addi %add3A_171, %mul3A_170 : i32
        %mul3A_173 = arith.constant 16 : i32
        %mul3A_174 = arith.muli %add3A_172, %mul3A_173 : i32
        %add3A_175 = vector.broadcast %mul3A_174 : i32 to vector<16xi32>
        %add3A_176 = arith.addi %add3A_175, %iota3A : vector<16xi32>
        %broadcast_in_dim3A = arith.constant 0 : i32
        %broadcast_in_dim3A_177 = vector.broadcast %broadcast_in_dim3A : i32 to vector<16xi32>
        %gather3A = tpu.vector_load_idx %arg8[%add3A_176, %broadcast_in_dim3A_177] : memref<512x32xf32, #tpu.memory_space<vmem>>[vector<16xi32>, vector<16xi32>], vector<16xf32>,
        %mul3A_178 = arith.constant 16 : i32
        %mul3A_179 = arith.muli %add3A_172, %mul3A_178 : i32
        %swap3A = arith.constant 0 : i32
        %swap3A_180 = arith.index_cast %swap3A : i32 to index
        %swap3A_181 = arith.index_cast %mul3A_179 : i32 to index
        %swap3A_182 = tpu.vector_load %arg10[%swap3A_180, %swap3A_181] {strides = array<i32>} : memref<32x512xf32, #tpu.memory_space<vmem>>, vector<16xf32>,
        tpu.vector_store %arg10[%swap3A_180, %swap3A_181], %gather3A {strides = array<i32>} : memref<32x512xf32, #tpu.memory_space<vmem>>, vector<16xf32>,
        %broadcast_in_dim3A_183 = arith.constant 1 : i32
        %broadcast_in_dim3A_184 = vector.broadcast %broadcast_in_dim3A_183 : i32 to vector<16xi32>
        %gather3A_185 = tpu.vector_load_idx %arg8[%add3A_176, %broadcast_in_dim3A_184] : memref<512x32xf32, #tpu.memory_space<vmem>>[vector<16xi32>, vector<16xi32>], vector<16xf32>,
        %mul3A_186 = arith.constant 16 : i32
        %mul3A_187 = arith.muli %add3A_172, %mul3A_186 : i32
        %swap3A_188 = arith.constant 1 : i32
        %swap3A_189 = arith.index_cast %swap3A_188 : i32 to index
        %swap3A_190 = arith.index_cast %mul3A_187 : i32 to index
        %swap3A_191 = tpu.vector_load %arg10[%swap3A_189, %swap3A_190] {strides = array<i32>} : memref<32x512xf32, #tpu.memory_space<vmem>>, vector<16xf32>,
        tpu.vector_store %arg10[%swap3A_189, %swap3A_190], %gather3A_185 {strides = array<i32>} : memref<32x512xf32, #tpu.memory_space<vmem>>, vector<16xf32>,
        %broadcast_in_dim3A_192 = arith.constant 2 : i32
        %broadcast_in_dim3A_193 = vector.broadcast %broadcast_in_dim3A_192 : i32 to vector<16xi32>
        %gather3A_194 = tpu.vector_load_idx %arg8[%add3A_176, %broadcast_in_dim3A_193] : memref<512x32xf32, #tpu.memory_space<vmem>>[vector<16xi32>, vector<16xi32>], vector<16xf32>,
        %mul3A_195 = arith.constant 16 : i32
        %mul3A_196 = arith.muli %add3A_172, %mul3A_195 : i32
        %swap3A_197 = arith.constant 2 : i32
        %swap3A_198 = arith.index_cast %swap3A_197 : i32 to index
        %swap3A_199 = arith.index_cast %mul3A_196 : i32 to index
        %swap3A_200 = tpu.vector_load %arg10[%swap3A_198, %swap3A_199] {strides = array<i32>} : memref<32x512xf32, #tpu.memory_space<vmem>>, vector<16xf32>,
        tpu.vector_store %arg10[%swap3A_198, %swap3A_199], %gather3A_194 {strides = array<i32>} : memref<32x512xf32, #tpu.memory_space<vmem>>, vector<16xf32>,
        %broadcast_in_dim3A_201 = arith.constant 3 : i32
        %broadcast_in_dim3A_202 = vector.broadcast %broadcast_in_dim3A_201 : i32 to vector<16xi32>
        %gather3A_203 = tpu.vector_load_idx %arg8[%add3A_176, %broadcast_in_dim3A_202] : memref<512x32xf32, #tpu.memory_space<vmem>>[vector<16xi32>, vector<16xi32>], vector<16xf32>,
        %mul3A_204 = arith.constant 16 : i32
        %mul3A_205 = arith.muli %add3A_172, %mul3A_204 : i32
        %swap3A_206 = arith.constant 3 : i32
        %swap3A_207 = arith.index_cast %swap3A_206 : i32 to index
        %swap3A_208 = arith.index_cast %mul3A_205 : i32 to index
        %swap3A_209 = tpu.vector_load %arg10[%swap3A_207, %swap3A_208] {strides = array<i32>} : memref<32x512xf32, #tpu.memory_space<vmem>>, vector<16xf32>,
        tpu.vector_store %arg10[%swap3A_207, %swap3A_208], %gather3A_203 {strides = array<i32>} : memref<32x512xf32, #tpu.memory_space<vmem>>, vector<16xf32>,
        %broadcast_in_dim3A_210 = arith.constant 4 : i32
        %broadcast_in_dim3A_211 = vector.broadcast %broadcast_in_dim3A_210 : i32 to vector<16xi32>
        %gather3A_212 = tpu.vector_load_idx %arg8[%add3A_176, %broadcast_in_dim3A_211] : memref<512x32xf32, #tpu.memory_space<vmem>>[vector<16xi32>, vector<16xi32>], vector<16xf32>,
        %mul3A_213 = arith.constant 16 : i32
        %mul3A_214 = arith.muli %add3A_172, %mul3A_213 : i32
        %swap3A_215 = arith.constant 4 : i32
        %swap3A_216 = arith.index_cast %swap3A_215 : i32 to index
        %swap3A_217 = arith.index_cast %mul3A_214 : i32 to index
        %swap3A_218 = tpu.vector_load %arg10[%swap3A_216, %swap3A_217] {strides = array<i32>} : memref<32x512xf32, #tpu.memory_space<vmem>>, vector<16xf32>,
        tpu.vector_store %arg10[%swap3A_216, %swap3A_217], %gather3A_212 {strides = array<i32>} : memref<32x512xf32, #tpu.memory_space<vmem>>, vector<16xf32>,
        %broadcast_in_dim3A_219 = arith.constant 5 : i32
        %broadcast_in_dim3A_220 = vector.broadcast %broadcast_in_dim3A_219 : i32 to vector<16xi32>
        %gather3A_221 = tpu.vector_load_idx %arg8[%add3A_176, %broadcast_in_dim3A_220] : memref<512x32xf32, #tpu.memory_space<vmem>>[vector<16xi32>, vector<16xi32>], vector<16xf32>,
        %mul3A_222 = arith.constant 16 : i32
        %mul3A_223 = arith.muli %add3A_172, %mul3A_222 : i32
        %swap3A_224 = arith.constant 5 : i32
        %swap3A_225 = arith.index_cast %swap3A_224 : i32 to index
        %swap3A_226 = arith.index_cast %mul3A_223 : i32 to index
        %swap3A_227 = tpu.vector_load %arg10[%swap3A_225, %swap3A_226] {strides = array<i32>} : memref<32x512xf32, #tpu.memory_space<vmem>>, vector<16xf32>,
        tpu.vector_store %arg10[%swap3A_225, %swap3A_226], %gather3A_221 {strides = array<i32>} : memref<32x512xf32, #tpu.memory_space<vmem>>, vector<16xf32>,
        %broadcast_in_dim3A_228 = arith.constant 6 : i32
        %broadcast_in_dim3A_229 = vector.broadcast %broadcast_in_dim3A_228 : i32 to vector<16xi32>
        %gather3A_230 = tpu.vector_load_idx %arg8[%add3A_176, %broadcast_in_dim3A_229] : memref<512x32xf32, #tpu.memory_space<vmem>>[vector<16xi32>, vector<16xi32>], vector<16xf32>,
        %mul3A_231 = arith.constant 16 : i32
        %mul3A_232 = arith.muli %add3A_172, %mul3A_231 : i32
        %swap3A_233 = arith.constant 6 : i32
        %swap3A_234 = arith.index_cast %swap3A_233 : i32 to index
        %swap3A_235 = arith.index_cast %mul3A_232 : i32 to index
        %swap3A_236 = tpu.vector_load %arg10[%swap3A_234, %swap3A_235] {strides = array<i32>} : memref<32x512xf32, #tpu.memory_space<vmem>>, vector<16xf32>,
        tpu.vector_store %arg10[%swap3A_234, %swap3A_235], %gather3A_230 {strides = array<i32>} : memref<32x512xf32, #tpu.memory_space<vmem>>, vector<16xf32>,
        %broadcast_in_dim3A_237 = arith.constant 7 : i32
        %broadcast_in_dim3A_238 = vector.broadcast %broadcast_in_dim3A_237 : i32 to vector<16xi32>
        %gather3A_239 = tpu.vector_load_idx %arg8[%add3A_176, %broadcast_in_dim3A_238] : memref<512x32xf32, #tpu.memory_space<vmem>>[vector<16xi32>, vector<16xi32>], vector<16xf32>,
        %mul3A_240 = arith.constant 16 : i32
        %mul3A_241 = arith.muli %add3A_172, %mul3A_240 : i32
        %swap3A_242 = arith.constant 7 : i32
        %swap3A_243 = arith.index_cast %swap3A_242 : i32 to index
        %swap3A_244 = arith.index_cast %mul3A_241 : i32 to index
        %swap3A_245 = tpu.vector_load %arg10[%swap3A_243, %swap3A_244] {strides = array<i32>} : memref<32x512xf32, #tpu.memory_space<vmem>>, vector<16xf32>,
        tpu.vector_store %arg10[%swap3A_243, %swap3A_244], %gather3A_239 {strides = array<i32>} : memref<32x512xf32, #tpu.memory_space<vmem>>, vector<16xf32>,
        %broadcast_in_dim3A_246 = arith.constant 8 : i32
        %broadcast_in_dim3A_247 = vector.broadcast %broadcast_in_dim3A_246 : i32 to vector<16xi32>
        %gather3A_248 = tpu.vector_load_idx %arg8[%add3A_176, %broadcast_in_dim3A_247] : memref<512x32xf32, #tpu.memory_space<vmem>>[vector<16xi32>, vector<16xi32>], vector<16xf32>,
        %mul3A_249 = arith.constant 16 : i32
        %mul3A_250 = arith.muli %add3A_172, %mul3A_249 : i32
        %swap3A_251 = arith.constant 8 : i32
        %swap3A_252 = arith.index_cast %swap3A_251 : i32 to index
        %swap3A_253 = arith.index_cast %mul3A_250 : i32 to index
        %swap3A_254 = tpu.vector_load %arg10[%swap3A_252, %swap3A_253] {strides = array<i32>} : memref<32x512xf32, #tpu.memory_space<vmem>>, vector<16xf32>,
        tpu.vector_store %arg10[%swap3A_252, %swap3A_253], %gather3A_248 {strides = array<i32>} : memref<32x512xf32, #tpu.memory_space<vmem>>, vector<16xf32>,
        %broadcast_in_dim3A_255 = arith.constant 9 : i32
        %broadcast_in_dim3A_256 = vector.broadcast %broadcast_in_dim3A_255 : i32 to vector<16xi32>
        %gather3A_257 = tpu.vector_load_idx %arg8[%add3A_176, %broadcast_in_dim3A_256] : memref<512x32xf32, #tpu.memory_space<vmem>>[vector<16xi32>, vector<16xi32>], vector<16xf32>,
        %mul3A_258 = arith.constant 16 : i32
        %mul3A_259 = arith.muli %add3A_172, %mul3A_258 : i32
        %swap3A_260 = arith.constant 9 : i32
        %swap3A_261 = arith.index_cast %swap3A_260 : i32 to index
        %swap3A_262 = arith.index_cast %mul3A_259 : i32 to index
        %swap3A_263 = tpu.vector_load %arg10[%swap3A_261, %swap3A_262] {strides = array<i32>} : memref<32x512xf32, #tpu.memory_space<vmem>>, vector<16xf32>,
        tpu.vector_store %arg10[%swap3A_261, %swap3A_262], %gather3A_257 {strides = array<i32>} : memref<32x512xf32, #tpu.memory_space<vmem>>, vector<16xf32>,
        %broadcast_in_dim3A_264 = arith.constant 10 : i32
        %broadcast_in_dim3A_265 = vector.broadcast %broadcast_in_dim3A_264 : i32 to vector<16xi32>
        %gather3A_266 = tpu.vector_load_idx %arg8[%add3A_176, %broadcast_in_dim3A_265] : memref<512x32xf32, #tpu.memory_space<vmem>>[vector<16xi32>, vector<16xi32>], vector<16xf32>,
        %mul3A_267 = arith.constant 16 : i32
        %mul3A_268 = arith.muli %add3A_172, %mul3A_267 : i32
        %swap3A_269 = arith.constant 10 : i32
        %swap3A_270 = arith.index_cast %swap3A_269 : i32 to index
        %swap3A_271 = arith.index_cast %mul3A_268 : i32 to index
        %swap3A_272 = tpu.vector_load %arg10[%swap3A_270, %swap3A_271] {strides = array<i32>} : memref<32x512xf32, #tpu.memory_space<vmem>>, vector<16xf32>,
        tpu.vector_store %arg10[%swap3A_270, %swap3A_271], %gather3A_266 {strides = array<i32>} : memref<32x512xf32, #tpu.memory_space<vmem>>, vector<16xf32>,
        %broadcast_in_dim3A_273 = arith.constant 11 : i32
        %broadcast_in_dim3A_274 = vector.broadcast %broadcast_in_dim3A_273 : i32 to vector<16xi32>
        %gather3A_275 = tpu.vector_load_idx %arg8[%add3A_176, %broadcast_in_dim3A_274] : memref<512x32xf32, #tpu.memory_space<vmem>>[vector<16xi32>, vector<16xi32>], vector<16xf32>,
        %mul3A_276 = arith.constant 16 : i32
        %mul3A_277 = arith.muli %add3A_172, %mul3A_276 : i32
        %swap3A_278 = arith.constant 11 : i32
        %swap3A_279 = arith.index_cast %swap3A_278 : i32 to index
        %swap3A_280 = arith.index_cast %mul3A_277 : i32 to index
        %swap3A_281 = tpu.vector_load %arg10[%swap3A_279, %swap3A_280] {strides = array<i32>} : memref<32x512xf32, #tpu.memory_space<vmem>>, vector<16xf32>,
        tpu.vector_store %arg10[%swap3A_279, %swap3A_280], %gather3A_275 {strides = array<i32>} : memref<32x512xf32, #tpu.memory_space<vmem>>, vector<16xf32>,
        %broadcast_in_dim3A_282 = arith.constant 12 : i32
        %broadcast_in_dim3A_283 = vector.broadcast %broadcast_in_dim3A_282 : i32 to vector<16xi32>
        %gather3A_284 = tpu.vector_load_idx %arg8[%add3A_176, %broadcast_in_dim3A_283] : memref<512x32xf32, #tpu.memory_space<vmem>>[vector<16xi32>, vector<16xi32>], vector<16xf32>,
        %mul3A_285 = arith.constant 16 : i32
        %mul3A_286 = arith.muli %add3A_172, %mul3A_285 : i32
        %swap3A_287 = arith.constant 12 : i32
        %swap3A_288 = arith.index_cast %swap3A_287 : i32 to index
        %swap3A_289 = arith.index_cast %mul3A_286 : i32 to index
        %swap3A_290 = tpu.vector_load %arg10[%swap3A_288, %swap3A_289] {strides = array<i32>} : memref<32x512xf32, #tpu.memory_space<vmem>>, vector<16xf32>,
        tpu.vector_store %arg10[%swap3A_288, %swap3A_289], %gather3A_284 {strides = array<i32>} : memref<32x512xf32, #tpu.memory_space<vmem>>, vector<16xf32>,
        %broadcast_in_dim3A_291 = arith.constant 13 : i32
        %broadcast_in_dim3A_292 = vector.broadcast %broadcast_in_dim3A_291 : i32 to vector<16xi32>
        %gather3A_293 = tpu.vector_load_idx %arg8[%add3A_176, %broadcast_in_dim3A_292] : memref<512x32xf32, #tpu.memory_space<vmem>>[vector<16xi32>, vector<16xi32>], vector<16xf32>,
        %mul3A_294 = arith.constant 16 : i32
        %mul3A_295 = arith.muli %add3A_172, %mul3A_294 : i32
        %swap3A_296 = arith.constant 13 : i32
        %swap3A_297 = arith.index_cast %swap3A_296 : i32 to index
        %swap3A_298 = arith.index_cast %mul3A_295 : i32 to index
        %swap3A_299 = tpu.vector_load %arg10[%swap3A_297, %swap3A_298] {strides = array<i32>} : memref<32x512xf32, #tpu.memory_space<vmem>>, vector<16xf32>,
        tpu.vector_store %arg10[%swap3A_297, %swap3A_298], %gather3A_293 {strides = array<i32>} : memref<32x512xf32, #tpu.memory_space<vmem>>, vector<16xf32>,
        %broadcast_in_dim3A_300 = arith.constant 14 : i32
        %broadcast_in_dim3A_301 = vector.broadcast %broadcast_in_dim3A_300 : i32 to vector<16xi32>
        %gather3A_302 = tpu.vector_load_idx %arg8[%add3A_176, %broadcast_in_dim3A_301] : memref<512x32xf32, #tpu.memory_space<vmem>>[vector<16xi32>, vector<16xi32>], vector<16xf32>,
        %mul3A_303 = arith.constant 16 : i32
        %mul3A_304 = arith.muli %add3A_172, %mul3A_303 : i32
        %swap3A_305 = arith.constant 14 : i32
        %swap3A_306 = arith.index_cast %swap3A_305 : i32 to index
        %swap3A_307 = arith.index_cast %mul3A_304 : i32 to index
        %swap3A_308 = tpu.vector_load %arg10[%swap3A_306, %swap3A_307] {strides = array<i32>} : memref<32x512xf32, #tpu.memory_space<vmem>>, vector<16xf32>,
        tpu.vector_store %arg10[%swap3A_306, %swap3A_307], %gather3A_302 {strides = array<i32>} : memref<32x512xf32, #tpu.memory_space<vmem>>, vector<16xf32>,
        %broadcast_in_dim3A_309 = arith.constant 15 : i32
        %broadcast_in_dim3A_310 = vector.broadcast %broadcast_in_dim3A_309 : i32 to vector<16xi32>
        %gather3A_311 = tpu.vector_load_idx %arg8[%add3A_176, %broadcast_in_dim3A_310] : memref<512x32xf32, #tpu.memory_space<vmem>>[vector<16xi32>, vector<16xi32>], vector<16xf32>,
        %mul3A_312 = arith.constant 16 : i32
        %mul3A_313 = arith.muli %add3A_172, %mul3A_312 : i32
        %swap3A_314 = arith.constant 15 : i32
        %swap3A_315 = arith.index_cast %swap3A_314 : i32 to index
        %swap3A_316 = arith.index_cast %mul3A_313 : i32 to index
        %swap3A_317 = tpu.vector_load %arg10[%swap3A_315, %swap3A_316] {strides = array<i32>} : memref<32x512xf32, #tpu.memory_space<vmem>>, vector<16xf32>,
        tpu.vector_store %arg10[%swap3A_315, %swap3A_316], %gather3A_311 {strides = array<i32>} : memref<32x512xf32, #tpu.memory_space<vmem>>, vector<16xf32>,
        %broadcast_in_dim3A_318 = arith.constant 16 : i32
        %broadcast_in_dim3A_319 = vector.broadcast %broadcast_in_dim3A_318 : i32 to vector<16xi32>
        %gather3A_320 = tpu.vector_load_idx %arg8[%add3A_176, %broadcast_in_dim3A_319] : memref<512x32xf32, #tpu.memory_space<vmem>>[vector<16xi32>, vector<16xi32>], vector<16xf32>,
        %mul3A_321 = arith.constant 16 : i32
        %mul3A_322 = arith.muli %add3A_172, %mul3A_321 : i32
        %swap3A_323 = arith.constant 16 : i32
        %swap3A_324 = arith.index_cast %swap3A_323 : i32 to index
        %swap3A_325 = arith.index_cast %mul3A_322 : i32 to index
        %swap3A_326 = tpu.vector_load %arg10[%swap3A_324, %swap3A_325] {strides = array<i32>} : memref<32x512xf32, #tpu.memory_space<vmem>>, vector<16xf32>,
        tpu.vector_store %arg10[%swap3A_324, %swap3A_325], %gather3A_320 {strides = array<i32>} : memref<32x512xf32, #tpu.memory_space<vmem>>, vector<16xf32>,
        %broadcast_in_dim3A_327 = arith.constant 17 : i32
        %broadcast_in_dim3A_328 = vector.broadcast %broadcast_in_dim3A_327 : i32 to vector<16xi32>
        %gather3A_329 = tpu.vector_load_idx %arg8[%add3A_176, %broadcast_in_dim3A_328] : memref<512x32xf32, #tpu.memory_space<vmem>>[vector<16xi32>, vector<16xi32>], vector<16xf32>,
        %mul3A_330 = arith.constant 16 : i32
        %mul3A_331 = arith.muli %add3A_172, %mul3A_330 : i32
        %swap3A_332 = arith.constant 17 : i32
        %swap3A_333 = arith.index_cast %swap3A_332 : i32 to index
        %swap3A_334 = arith.index_cast %mul3A_331 : i32 to index
        %swap3A_335 = tpu.vector_load %arg10[%swap3A_333, %swap3A_334] {strides = array<i32>} : memref<32x512xf32, #tpu.memory_space<vmem>>, vector<16xf32>,
        tpu.vector_store %arg10[%swap3A_333, %swap3A_334], %gather3A_329 {strides = array<i32>} : memref<32x512xf32, #tpu.memory_space<vmem>>, vector<16xf32>,
        %broadcast_in_dim3A_336 = arith.constant 18 : i32
        %broadcast_in_dim3A_337 = vector.broadcast %broadcast_in_dim3A_336 : i32 to vector<16xi32>
        %gather3A_338 = tpu.vector_load_idx %arg8[%add3A_176, %broadcast_in_dim3A_337] : memref<512x32xf32, #tpu.memory_space<vmem>>[vector<16xi32>, vector<16xi32>], vector<16xf32>,
        %mul3A_339 = arith.constant 16 : i32
        %mul3A_340 = arith.muli %add3A_172, %mul3A_339 : i32
        %swap3A_341 = arith.constant 18 : i32
        %swap3A_342 = arith.index_cast %swap3A_341 : i32 to index
        %swap3A_343 = arith.index_cast %mul3A_340 : i32 to index
        %swap3A_344 = tpu.vector_load %arg10[%swap3A_342, %swap3A_343] {strides = array<i32>} : memref<32x512xf32, #tpu.memory_space<vmem>>, vector<16xf32>,
        tpu.vector_store %arg10[%swap3A_342, %swap3A_343], %gather3A_338 {strides = array<i32>} : memref<32x512xf32, #tpu.memory_space<vmem>>, vector<16xf32>,
        %broadcast_in_dim3A_345 = arith.constant 19 : i32
        %broadcast_in_dim3A_346 = vector.broadcast %broadcast_in_dim3A_345 : i32 to vector<16xi32>
        %gather3A_347 = tpu.vector_load_idx %arg8[%add3A_176, %broadcast_in_dim3A_346] : memref<512x32xf32, #tpu.memory_space<vmem>>[vector<16xi32>, vector<16xi32>], vector<16xf32>,
        %mul3A_348 = arith.constant 16 : i32
        %mul3A_349 = arith.muli %add3A_172, %mul3A_348 : i32
        %swap3A_350 = arith.constant 19 : i32
        %swap3A_351 = arith.index_cast %swap3A_350 : i32 to index
        %swap3A_352 = arith.index_cast %mul3A_349 : i32 to index
        %swap3A_353 = tpu.vector_load %arg10[%swap3A_351, %swap3A_352] {strides = array<i32>} : memref<32x512xf32, #tpu.memory_space<vmem>>, vector<16xf32>,
        tpu.vector_store %arg10[%swap3A_351, %swap3A_352], %gather3A_347 {strides = array<i32>} : memref<32x512xf32, #tpu.memory_space<vmem>>, vector<16xf32>,
        %broadcast_in_dim3A_354 = arith.constant 20 : i32
        %broadcast_in_dim3A_355 = vector.broadcast %broadcast_in_dim3A_354 : i32 to vector<16xi32>
        %gather3A_356 = tpu.vector_load_idx %arg8[%add3A_176, %broadcast_in_dim3A_355] : memref<512x32xf32, #tpu.memory_space<vmem>>[vector<16xi32>, vector<16xi32>], vector<16xf32>,
        %mul3A_357 = arith.constant 16 : i32
        %mul3A_358 = arith.muli %add3A_172, %mul3A_357 : i32
        %swap3A_359 = arith.constant 20 : i32
        %swap3A_360 = arith.index_cast %swap3A_359 : i32 to index
        %swap3A_361 = arith.index_cast %mul3A_358 : i32 to index
        %swap3A_362 = tpu.vector_load %arg10[%swap3A_360, %swap3A_361] {strides = array<i32>} : memref<32x512xf32, #tpu.memory_space<vmem>>, vector<16xf32>,
        tpu.vector_store %arg10[%swap3A_360, %swap3A_361], %gather3A_356 {strides = array<i32>} : memref<32x512xf32, #tpu.memory_space<vmem>>, vector<16xf32>,
        %broadcast_in_dim3A_363 = arith.constant 21 : i32
        %broadcast_in_dim3A_364 = vector.broadcast %broadcast_in_dim3A_363 : i32 to vector<16xi32>
        %gather3A_365 = tpu.vector_load_idx %arg8[%add3A_176, %broadcast_in_dim3A_364] : memref<512x32xf32, #tpu.memory_space<vmem>>[vector<16xi32>, vector<16xi32>], vector<16xf32>,
        %mul3A_366 = arith.constant 16 : i32
        %mul3A_367 = arith.muli %add3A_172, %mul3A_366 : i32
        %swap3A_368 = arith.constant 21 : i32
        %swap3A_369 = arith.index_cast %swap3A_368 : i32 to index
        %swap3A_370 = arith.index_cast %mul3A_367 : i32 to index
        %swap3A_371 = tpu.vector_load %arg10[%swap3A_369, %swap3A_370] {strides = array<i32>} : memref<32x512xf32, #tpu.memory_space<vmem>>, vector<16xf32>,
        tpu.vector_store %arg10[%swap3A_369, %swap3A_370], %gather3A_365 {strides = array<i32>} : memref<32x512xf32, #tpu.memory_space<vmem>>, vector<16xf32>,
        %broadcast_in_dim3A_372 = arith.constant 22 : i32
        %broadcast_in_dim3A_373 = vector.broadcast %broadcast_in_dim3A_372 : i32 to vector<16xi32>
        %gather3A_374 = tpu.vector_load_idx %arg8[%add3A_176, %broadcast_in_dim3A_373] : memref<512x32xf32, #tpu.memory_space<vmem>>[vector<16xi32>, vector<16xi32>], vector<16xf32>,
        %mul3A_375 = arith.constant 16 : i32
        %mul3A_376 = arith.muli %add3A_172, %mul3A_375 : i32
        %swap3A_377 = arith.constant 22 : i32
        %swap3A_378 = arith.index_cast %swap3A_377 : i32 to index
        %swap3A_379 = arith.index_cast %mul3A_376 : i32 to index
        %swap3A_380 = tpu.vector_load %arg10[%swap3A_378, %swap3A_379] {strides = array<i32>} : memref<32x512xf32, #tpu.memory_space<vmem>>, vector<16xf32>,
        tpu.vector_store %arg10[%swap3A_378, %swap3A_379], %gather3A_374 {strides = array<i32>} : memref<32x512xf32, #tpu.memory_space<vmem>>, vector<16xf32>,
        %broadcast_in_dim3A_381 = arith.constant 23 : i32
        %broadcast_in_dim3A_382 = vector.broadcast %broadcast_in_dim3A_381 : i32 to vector<16xi32>
        %gather3A_383 = tpu.vector_load_idx %arg8[%add3A_176, %broadcast_in_dim3A_382] : memref<512x32xf32, #tpu.memory_space<vmem>>[vector<16xi32>, vector<16xi32>], vector<16xf32>,
        %mul3A_384 = arith.constant 16 : i32
        %mul3A_385 = arith.muli %add3A_172, %mul3A_384 : i32
        %swap3A_386 = arith.constant 23 : i32
        %swap3A_387 = arith.index_cast %swap3A_386 : i32 to index
        %swap3A_388 = arith.index_cast %mul3A_385 : i32 to index
        %swap3A_389 = tpu.vector_load %arg10[%swap3A_387, %swap3A_388] {strides = array<i32>} : memref<32x512xf32, #tpu.memory_space<vmem>>, vector<16xf32>,
        tpu.vector_store %arg10[%swap3A_387, %swap3A_388], %gather3A_383 {strides = array<i32>} : memref<32x512xf32, #tpu.memory_space<vmem>>, vector<16xf32>,
        %broadcast_in_dim3A_390 = arith.constant 24 : i32
        %broadcast_in_dim3A_391 = vector.broadcast %broadcast_in_dim3A_390 : i32 to vector<16xi32>
        %gather3A_392 = tpu.vector_load_idx %arg8[%add3A_176, %broadcast_in_dim3A_391] : memref<512x32xf32, #tpu.memory_space<vmem>>[vector<16xi32>, vector<16xi32>], vector<16xf32>,
        %mul3A_393 = arith.constant 16 : i32
        %mul3A_394 = arith.muli %add3A_172, %mul3A_393 : i32
        %swap3A_395 = arith.constant 24 : i32
        %swap3A_396 = arith.index_cast %swap3A_395 : i32 to index
        %swap3A_397 = arith.index_cast %mul3A_394 : i32 to index
        %swap3A_398 = tpu.vector_load %arg10[%swap3A_396, %swap3A_397] {strides = array<i32>} : memref<32x512xf32, #tpu.memory_space<vmem>>, vector<16xf32>,
        tpu.vector_store %arg10[%swap3A_396, %swap3A_397], %gather3A_392 {strides = array<i32>} : memref<32x512xf32, #tpu.memory_space<vmem>>, vector<16xf32>,
        %broadcast_in_dim3A_399 = arith.constant 25 : i32
        %broadcast_in_dim3A_400 = vector.broadcast %broadcast_in_dim3A_399 : i32 to vector<16xi32>
        %gather3A_401 = tpu.vector_load_idx %arg8[%add3A_176, %broadcast_in_dim3A_400] : memref<512x32xf32, #tpu.memory_space<vmem>>[vector<16xi32>, vector<16xi32>], vector<16xf32>,
        %mul3A_402 = arith.constant 16 : i32
        %mul3A_403 = arith.muli %add3A_172, %mul3A_402 : i32
        %swap3A_404 = arith.constant 25 : i32
        %swap3A_405 = arith.index_cast %swap3A_404 : i32 to index
        %swap3A_406 = arith.index_cast %mul3A_403 : i32 to index
        %swap3A_407 = tpu.vector_load %arg10[%swap3A_405, %swap3A_406] {strides = array<i32>} : memref<32x512xf32, #tpu.memory_space<vmem>>, vector<16xf32>,
        tpu.vector_store %arg10[%swap3A_405, %swap3A_406], %gather3A_401 {strides = array<i32>} : memref<32x512xf32, #tpu.memory_space<vmem>>, vector<16xf32>,
        %broadcast_in_dim3A_408 = arith.constant 26 : i32
        %broadcast_in_dim3A_409 = vector.broadcast %broadcast_in_dim3A_408 : i32 to vector<16xi32>
        %gather3A_410 = tpu.vector_load_idx %arg8[%add3A_176, %broadcast_in_dim3A_409] : memref<512x32xf32, #tpu.memory_space<vmem>>[vector<16xi32>, vector<16xi32>], vector<16xf32>,
        %mul3A_411 = arith.constant 16 : i32
        %mul3A_412 = arith.muli %add3A_172, %mul3A_411 : i32
        %swap3A_413 = arith.constant 26 : i32
        %swap3A_414 = arith.index_cast %swap3A_413 : i32 to index
        %swap3A_415 = arith.index_cast %mul3A_412 : i32 to index
        %swap3A_416 = tpu.vector_load %arg10[%swap3A_414, %swap3A_415] {strides = array<i32>} : memref<32x512xf32, #tpu.memory_space<vmem>>, vector<16xf32>,
        tpu.vector_store %arg10[%swap3A_414, %swap3A_415], %gather3A_410 {strides = array<i32>} : memref<32x512xf32, #tpu.memory_space<vmem>>, vector<16xf32>,
        %broadcast_in_dim3A_417 = arith.constant 27 : i32
        %broadcast_in_dim3A_418 = vector.broadcast %broadcast_in_dim3A_417 : i32 to vector<16xi32>
        %gather3A_419 = tpu.vector_load_idx %arg8[%add3A_176, %broadcast_in_dim3A_418] : memref<512x32xf32, #tpu.memory_space<vmem>>[vector<16xi32>, vector<16xi32>], vector<16xf32>,
        %mul3A_420 = arith.constant 16 : i32
        %mul3A_421 = arith.muli %add3A_172, %mul3A_420 : i32
        %swap3A_422 = arith.constant 27 : i32
        %swap3A_423 = arith.index_cast %swap3A_422 : i32 to index
        %swap3A_424 = arith.index_cast %mul3A_421 : i32 to index
        %swap3A_425 = tpu.vector_load %arg10[%swap3A_423, %swap3A_424] {strides = array<i32>} : memref<32x512xf32, #tpu.memory_space<vmem>>, vector<16xf32>,
        tpu.vector_store %arg10[%swap3A_423, %swap3A_424], %gather3A_419 {strides = array<i32>} : memref<32x512xf32, #tpu.memory_space<vmem>>, vector<16xf32>,
        %broadcast_in_dim3A_426 = arith.constant 28 : i32
        %broadcast_in_dim3A_427 = vector.broadcast %broadcast_in_dim3A_426 : i32 to vector<16xi32>
        %gather3A_428 = tpu.vector_load_idx %arg8[%add3A_176, %broadcast_in_dim3A_427] : memref<512x32xf32, #tpu.memory_space<vmem>>[vector<16xi32>, vector<16xi32>], vector<16xf32>,
        %mul3A_429 = arith.constant 16 : i32
        %mul3A_430 = arith.muli %add3A_172, %mul3A_429 : i32
        %swap3A_431 = arith.constant 28 : i32
        %swap3A_432 = arith.index_cast %swap3A_431 : i32 to index
        %swap3A_433 = arith.index_cast %mul3A_430 : i32 to index
        %swap3A_434 = tpu.vector_load %arg10[%swap3A_432, %swap3A_433] {strides = array<i32>} : memref<32x512xf32, #tpu.memory_space<vmem>>, vector<16xf32>,
        tpu.vector_store %arg10[%swap3A_432, %swap3A_433], %gather3A_428 {strides = array<i32>} : memref<32x512xf32, #tpu.memory_space<vmem>>, vector<16xf32>,
        %broadcast_in_dim3A_435 = arith.constant 29 : i32
        %broadcast_in_dim3A_436 = vector.broadcast %broadcast_in_dim3A_435 : i32 to vector<16xi32>
        %gather3A_437 = tpu.vector_load_idx %arg8[%add3A_176, %broadcast_in_dim3A_436] : memref<512x32xf32, #tpu.memory_space<vmem>>[vector<16xi32>, vector<16xi32>], vector<16xf32>,
        %mul3A_438 = arith.constant 16 : i32
        %mul3A_439 = arith.muli %add3A_172, %mul3A_438 : i32
        %swap3A_440 = arith.constant 29 : i32
        %swap3A_441 = arith.index_cast %swap3A_440 : i32 to index
        %swap3A_442 = arith.index_cast %mul3A_439 : i32 to index
        %swap3A_443 = tpu.vector_load %arg10[%swap3A_441, %swap3A_442] {strides = array<i32>} : memref<32x512xf32, #tpu.memory_space<vmem>>, vector<16xf32>,
        tpu.vector_store %arg10[%swap3A_441, %swap3A_442], %gather3A_437 {strides = array<i32>} : memref<32x512xf32, #tpu.memory_space<vmem>>, vector<16xf32>,
        %broadcast_in_dim3A_444 = arith.constant 30 : i32
        %broadcast_in_dim3A_445 = vector.broadcast %broadcast_in_dim3A_444 : i32 to vector<16xi32>
        %gather3A_446 = tpu.vector_load_idx %arg8[%add3A_176, %broadcast_in_dim3A_445] : memref<512x32xf32, #tpu.memory_space<vmem>>[vector<16xi32>, vector<16xi32>], vector<16xf32>,
        %mul3A_447 = arith.constant 16 : i32
        %mul3A_448 = arith.muli %add3A_172, %mul3A_447 : i32
        %swap3A_449 = arith.constant 30 : i32
        %swap3A_450 = arith.index_cast %swap3A_449 : i32 to index
        %swap3A_451 = arith.index_cast %mul3A_448 : i32 to index
        %swap3A_452 = tpu.vector_load %arg10[%swap3A_450, %swap3A_451] {strides = array<i32>} : memref<32x512xf32, #tpu.memory_space<vmem>>, vector<16xf32>,
        tpu.vector_store %arg10[%swap3A_450, %swap3A_451], %gather3A_446 {strides = array<i32>} : memref<32x512xf32, #tpu.memory_space<vmem>>, vector<16xf32>,
        %broadcast_in_dim3A_453 = arith.constant 31 : i32
        %broadcast_in_dim3A_454 = vector.broadcast %broadcast_in_dim3A_453 : i32 to vector<16xi32>
        %gather3A_455 = tpu.vector_load_idx %arg8[%add3A_176, %broadcast_in_dim3A_454] : memref<512x32xf32, #tpu.memory_space<vmem>>[vector<16xi32>, vector<16xi32>], vector<16xf32>,
        %mul3A_456 = arith.constant 16 : i32
        %mul3A_457 = arith.muli %add3A_172, %mul3A_456 : i32
        %swap3A_458 = arith.constant 31 : i32
        %swap3A_459 = arith.index_cast %swap3A_458 : i32 to index
        %swap3A_460 = arith.index_cast %mul3A_457 : i32 to index
        %swap3A_461 = tpu.vector_load %arg10[%swap3A_459, %swap3A_460] {strides = array<i32>} : memref<32x512xf32, #tpu.memory_space<vmem>>, vector<16xf32>,
        tpu.vector_store %arg10[%swap3A_459, %swap3A_460], %gather3A_455 {strides = array<i32>} : memref<32x512xf32, #tpu.memory_space<vmem>>, vector<16xf32>,
      }
      %scan3A_158 = arith.constant 32 : i32
      %scan3A_159 = arith.constant 0 : i32
      %scan3A_160 = arith.constant 32 : i32
      %scan3A_161 = arith.addi %scan3A_159, %scan3A_160 : i32
      %scan3A_162 = arith.constant 1 : i32
      scf.for %scan3A_168 = %scan3A_159 to %scan3A_161 step %scan3A_162  : i32 {
        %mul3A_169 = arith.constant 1 : i32
        %mul3A_170 = arith.muli %scan3A_168, %mul3A_169 : i32
        %add3A_171 = arith.constant 0 : i32
        %add3A_172 = arith.addi %add3A_171, %mul3A_170 : i32
        %mul3A_173 = arith.constant 16 : i32
        %mul3A_174 = arith.muli %add3A_172, %mul3A_173 : i32
        %add3A_175 = vector.broadcast %mul3A_174 : i32 to vector<16xi32>
        %add3A_176 = arith.addi %add3A_175, %iota3A : vector<16xi32>
        %broadcast_in_dim3A = arith.constant 0 : i32
        %broadcast_in_dim3A_177 = vector.broadcast %broadcast_in_dim3A : i32 to vector<16xi32>
        %gather3A = tpu.vector_load_idx %arg9[%add3A_176, %broadcast_in_dim3A_177] : memref<512x32xf32, #tpu.memory_space<vmem>>[vector<16xi32>, vector<16xi32>], vector<16xf32>,
        %mul3A_178 = arith.constant 16 : i32
        %mul3A_179 = arith.muli %add3A_172, %mul3A_178 : i32
        %swap3A = arith.constant 0 : i32
        %swap3A_180 = arith.index_cast %swap3A : i32 to index
        %swap3A_181 = arith.index_cast %mul3A_179 : i32 to index
        %swap3A_182 = tpu.vector_load %arg11[%swap3A_180, %swap3A_181] {strides = array<i32>} : memref<32x512xf32, #tpu.memory_space<vmem>>, vector<16xf32>,
        tpu.vector_store %arg11[%swap3A_180, %swap3A_181], %gather3A {strides = array<i32>} : memref<32x512xf32, #tpu.memory_space<vmem>>, vector<16xf32>,
        %broadcast_in_dim3A_183 = arith.constant 1 : i32
        %broadcast_in_dim3A_184 = vector.broadcast %broadcast_in_dim3A_183 : i32 to vector<16xi32>
        %gather3A_185 = tpu.vector_load_idx %arg9[%add3A_176, %broadcast_in_dim3A_184] : memref<512x32xf32, #tpu.memory_space<vmem>>[vector<16xi32>, vector<16xi32>], vector<16xf32>,
        %mul3A_186 = arith.constant 16 : i32
        %mul3A_187 = arith.muli %add3A_172, %mul3A_186 : i32
        %swap3A_188 = arith.constant 1 : i32
        %swap3A_189 = arith.index_cast %swap3A_188 : i32 to index
        %swap3A_190 = arith.index_cast %mul3A_187 : i32 to index
        %swap3A_191 = tpu.vector_load %arg11[%swap3A_189, %swap3A_190] {strides = array<i32>} : memref<32x512xf32, #tpu.memory_space<vmem>>, vector<16xf32>,
        tpu.vector_store %arg11[%swap3A_189, %swap3A_190], %gather3A_185 {strides = array<i32>} : memref<32x512xf32, #tpu.memory_space<vmem>>, vector<16xf32>,
        %broadcast_in_dim3A_192 = arith.constant 2 : i32
        %broadcast_in_dim3A_193 = vector.broadcast %broadcast_in_dim3A_192 : i32 to vector<16xi32>
        %gather3A_194 = tpu.vector_load_idx %arg9[%add3A_176, %broadcast_in_dim3A_193] : memref<512x32xf32, #tpu.memory_space<vmem>>[vector<16xi32>, vector<16xi32>], vector<16xf32>,
        %mul3A_195 = arith.constant 16 : i32
        %mul3A_196 = arith.muli %add3A_172, %mul3A_195 : i32
        %swap3A_197 = arith.constant 2 : i32
        %swap3A_198 = arith.index_cast %swap3A_197 : i32 to index
        %swap3A_199 = arith.index_cast %mul3A_196 : i32 to index
        %swap3A_200 = tpu.vector_load %arg11[%swap3A_198, %swap3A_199] {strides = array<i32>} : memref<32x512xf32, #tpu.memory_space<vmem>>, vector<16xf32>,
        tpu.vector_store %arg11[%swap3A_198, %swap3A_199], %gather3A_194 {strides = array<i32>} : memref<32x512xf32, #tpu.memory_space<vmem>>, vector<16xf32>,
        %broadcast_in_dim3A_201 = arith.constant 3 : i32
        %broadcast_in_dim3A_202 = vector.broadcast %broadcast_in_dim3A_201 : i32 to vector<16xi32>
        %gather3A_203 = tpu.vector_load_idx %arg9[%add3A_176, %broadcast_in_dim3A_202] : memref<512x32xf32, #tpu.memory_space<vmem>>[vector<16xi32>, vector<16xi32>], vector<16xf32>,
        %mul3A_204 = arith.constant 16 : i32
        %mul3A_205 = arith.muli %add3A_172, %mul3A_204 : i32
        %swap3A_206 = arith.constant 3 : i32
        %swap3A_207 = arith.index_cast %swap3A_206 : i32 to index
        %swap3A_208 = arith.index_cast %mul3A_205 : i32 to index
        %swap3A_209 = tpu.vector_load %arg11[%swap3A_207, %swap3A_208] {strides = array<i32>} : memref<32x512xf32, #tpu.memory_space<vmem>>, vector<16xf32>,
        tpu.vector_store %arg11[%swap3A_207, %swap3A_208], %gather3A_203 {strides = array<i32>} : memref<32x512xf32, #tpu.memory_space<vmem>>, vector<16xf32>,
        %broadcast_in_dim3A_210 = arith.constant 4 : i32
        %broadcast_in_dim3A_211 = vector.broadcast %broadcast_in_dim3A_210 : i32 to vector<16xi32>
        %gather3A_212 = tpu.vector_load_idx %arg9[%add3A_176, %broadcast_in_dim3A_211] : memref<512x32xf32, #tpu.memory_space<vmem>>[vector<16xi32>, vector<16xi32>], vector<16xf32>,
        %mul3A_213 = arith.constant 16 : i32
        %mul3A_214 = arith.muli %add3A_172, %mul3A_213 : i32
        %swap3A_215 = arith.constant 4 : i32
        %swap3A_216 = arith.index_cast %swap3A_215 : i32 to index
        %swap3A_217 = arith.index_cast %mul3A_214 : i32 to index
        %swap3A_218 = tpu.vector_load %arg11[%swap3A_216, %swap3A_217] {strides = array<i32>} : memref<32x512xf32, #tpu.memory_space<vmem>>, vector<16xf32>,
        tpu.vector_store %arg11[%swap3A_216, %swap3A_217], %gather3A_212 {strides = array<i32>} : memref<32x512xf32, #tpu.memory_space<vmem>>, vector<16xf32>,
        %broadcast_in_dim3A_219 = arith.constant 5 : i32
        %broadcast_in_dim3A_220 = vector.broadcast %broadcast_in_dim3A_219 : i32 to vector<16xi32>
        %gather3A_221 = tpu.vector_load_idx %arg9[%add3A_176, %broadcast_in_dim3A_220] : memref<512x32xf32, #tpu.memory_space<vmem>>[vector<16xi32>, vector<16xi32>], vector<16xf32>,
        %mul3A_222 = arith.constant 16 : i32
        %mul3A_223 = arith.muli %add3A_172, %mul3A_222 : i32
        %swap3A_224 = arith.constant 5 : i32
        %swap3A_225 = arith.index_cast %swap3A_224 : i32 to index
        %swap3A_226 = arith.index_cast %mul3A_223 : i32 to index
        %swap3A_227 = tpu.vector_load %arg11[%swap3A_225, %swap3A_226] {strides = array<i32>} : memref<32x512xf32, #tpu.memory_space<vmem>>, vector<16xf32>,
        tpu.vector_store %arg11[%swap3A_225, %swap3A_226], %gather3A_221 {strides = array<i32>} : memref<32x512xf32, #tpu.memory_space<vmem>>, vector<16xf32>,
        %broadcast_in_dim3A_228 = arith.constant 6 : i32
        %broadcast_in_dim3A_229 = vector.broadcast %broadcast_in_dim3A_228 : i32 to vector<16xi32>
        %gather3A_230 = tpu.vector_load_idx %arg9[%add3A_176, %broadcast_in_dim3A_229] : memref<512x32xf32, #tpu.memory_space<vmem>>[vector<16xi32>, vector<16xi32>], vector<16xf32>,
        %mul3A_231 = arith.constant 16 : i32
        %mul3A_232 = arith.muli %add3A_172, %mul3A_231 : i32
        %swap3A_233 = arith.constant 6 : i32
        %swap3A_234 = arith.index_cast %swap3A_233 : i32 to index
        %swap3A_235 = arith.index_cast %mul3A_232 : i32 to index
        %swap3A_236 = tpu.vector_load %arg11[%swap3A_234, %swap3A_235] {strides = array<i32>} : memref<32x512xf32, #tpu.memory_space<vmem>>, vector<16xf32>,
        tpu.vector_store %arg11[%swap3A_234, %swap3A_235], %gather3A_230 {strides = array<i32>} : memref<32x512xf32, #tpu.memory_space<vmem>>, vector<16xf32>,
        %broadcast_in_dim3A_237 = arith.constant 7 : i32
        %broadcast_in_dim3A_238 = vector.broadcast %broadcast_in_dim3A_237 : i32 to vector<16xi32>
        %gather3A_239 = tpu.vector_load_idx %arg9[%add3A_176, %broadcast_in_dim3A_238] : memref<512x32xf32, #tpu.memory_space<vmem>>[vector<16xi32>, vector<16xi32>], vector<16xf32>,
        %mul3A_240 = arith.constant 16 : i32
        %mul3A_241 = arith.muli %add3A_172, %mul3A_240 : i32
        %swap3A_242 = arith.constant 7 : i32
        %swap3A_243 = arith.index_cast %swap3A_242 : i32 to index
        %swap3A_244 = arith.index_cast %mul3A_241 : i32 to index
        %swap3A_245 = tpu.vector_load %arg11[%swap3A_243, %swap3A_244] {strides = array<i32>} : memref<32x512xf32, #tpu.memory_space<vmem>>, vector<16xf32>,
        tpu.vector_store %arg11[%swap3A_243, %swap3A_244], %gather3A_239 {strides = array<i32>} : memref<32x512xf32, #tpu.memory_space<vmem>>, vector<16xf32>,
        %broadcast_in_dim3A_246 = arith.constant 8 : i32
        %broadcast_in_dim3A_247 = vector.broadcast %broadcast_in_dim3A_246 : i32 to vector<16xi32>
        %gather3A_248 = tpu.vector_load_idx %arg9[%add3A_176, %broadcast_in_dim3A_247] : memref<512x32xf32, #tpu.memory_space<vmem>>[vector<16xi32>, vector<16xi32>], vector<16xf32>,
        %mul3A_249 = arith.constant 16 : i32
        %mul3A_250 = arith.muli %add3A_172, %mul3A_249 : i32
        %swap3A_251 = arith.constant 8 : i32
        %swap3A_252 = arith.index_cast %swap3A_251 : i32 to index
        %swap3A_253 = arith.index_cast %mul3A_250 : i32 to index
        %swap3A_254 = tpu.vector_load %arg11[%swap3A_252, %swap3A_253] {strides = array<i32>} : memref<32x512xf32, #tpu.memory_space<vmem>>, vector<16xf32>,
        tpu.vector_store %arg11[%swap3A_252, %swap3A_253], %gather3A_248 {strides = array<i32>} : memref<32x512xf32, #tpu.memory_space<vmem>>, vector<16xf32>,
        %broadcast_in_dim3A_255 = arith.constant 9 : i32
        %broadcast_in_dim3A_256 = vector.broadcast %broadcast_in_dim3A_255 : i32 to vector<16xi32>
        %gather3A_257 = tpu.vector_load_idx %arg9[%add3A_176, %broadcast_in_dim3A_256] : memref<512x32xf32, #tpu.memory_space<vmem>>[vector<16xi32>, vector<16xi32>], vector<16xf32>,
        %mul3A_258 = arith.constant 16 : i32
        %mul3A_259 = arith.muli %add3A_172, %mul3A_258 : i32
        %swap3A_260 = arith.constant 9 : i32
        %swap3A_261 = arith.index_cast %swap3A_260 : i32 to index
        %swap3A_262 = arith.index_cast %mul3A_259 : i32 to index
        %swap3A_263 = tpu.vector_load %arg11[%swap3A_261, %swap3A_262] {strides = array<i32>} : memref<32x512xf32, #tpu.memory_space<vmem>>, vector<16xf32>,
        tpu.vector_store %arg11[%swap3A_261, %swap3A_262], %gather3A_257 {strides = array<i32>} : memref<32x512xf32, #tpu.memory_space<vmem>>, vector<16xf32>,
        %broadcast_in_dim3A_264 = arith.constant 10 : i32
        %broadcast_in_dim3A_265 = vector.broadcast %broadcast_in_dim3A_264 : i32 to vector<16xi32>
        %gather3A_266 = tpu.vector_load_idx %arg9[%add3A_176, %broadcast_in_dim3A_265] : memref<512x32xf32, #tpu.memory_space<vmem>>[vector<16xi32>, vector<16xi32>], vector<16xf32>,
        %mul3A_267 = arith.constant 16 : i32
        %mul3A_268 = arith.muli %add3A_172, %mul3A_267 : i32
        %swap3A_269 = arith.constant 10 : i32
        %swap3A_270 = arith.index_cast %swap3A_269 : i32 to index
        %swap3A_271 = arith.index_cast %mul3A_268 : i32 to index
        %swap3A_272 = tpu.vector_load %arg11[%swap3A_270, %swap3A_271] {strides = array<i32>} : memref<32x512xf32, #tpu.memory_space<vmem>>, vector<16xf32>,
        tpu.vector_store %arg11[%swap3A_270, %swap3A_271], %gather3A_266 {strides = array<i32>} : memref<32x512xf32, #tpu.memory_space<vmem>>, vector<16xf32>,
        %broadcast_in_dim3A_273 = arith.constant 11 : i32
        %broadcast_in_dim3A_274 = vector.broadcast %broadcast_in_dim3A_273 : i32 to vector<16xi32>
        %gather3A_275 = tpu.vector_load_idx %arg9[%add3A_176, %broadcast_in_dim3A_274] : memref<512x32xf32, #tpu.memory_space<vmem>>[vector<16xi32>, vector<16xi32>], vector<16xf32>,
        %mul3A_276 = arith.constant 16 : i32
        %mul3A_277 = arith.muli %add3A_172, %mul3A_276 : i32
        %swap3A_278 = arith.constant 11 : i32
        %swap3A_279 = arith.index_cast %swap3A_278 : i32 to index
        %swap3A_280 = arith.index_cast %mul3A_277 : i32 to index
        %swap3A_281 = tpu.vector_load %arg11[%swap3A_279, %swap3A_280] {strides = array<i32>} : memref<32x512xf32, #tpu.memory_space<vmem>>, vector<16xf32>,
        tpu.vector_store %arg11[%swap3A_279, %swap3A_280], %gather3A_275 {strides = array<i32>} : memref<32x512xf32, #tpu.memory_space<vmem>>, vector<16xf32>,
        %broadcast_in_dim3A_282 = arith.constant 12 : i32
        %broadcast_in_dim3A_283 = vector.broadcast %broadcast_in_dim3A_282 : i32 to vector<16xi32>
        %gather3A_284 = tpu.vector_load_idx %arg9[%add3A_176, %broadcast_in_dim3A_283] : memref<512x32xf32, #tpu.memory_space<vmem>>[vector<16xi32>, vector<16xi32>], vector<16xf32>,
        %mul3A_285 = arith.constant 16 : i32
        %mul3A_286 = arith.muli %add3A_172, %mul3A_285 : i32
        %swap3A_287 = arith.constant 12 : i32
        %swap3A_288 = arith.index_cast %swap3A_287 : i32 to index
        %swap3A_289 = arith.index_cast %mul3A_286 : i32 to index
        %swap3A_290 = tpu.vector_load %arg11[%swap3A_288, %swap3A_289] {strides = array<i32>} : memref<32x512xf32, #tpu.memory_space<vmem>>, vector<16xf32>,
        tpu.vector_store %arg11[%swap3A_288, %swap3A_289], %gather3A_284 {strides = array<i32>} : memref<32x512xf32, #tpu.memory_space<vmem>>, vector<16xf32>,
        %broadcast_in_dim3A_291 = arith.constant 13 : i32
        %broadcast_in_dim3A_292 = vector.broadcast %broadcast_in_dim3A_291 : i32 to vector<16xi32>
        %gather3A_293 = tpu.vector_load_idx %arg9[%add3A_176, %broadcast_in_dim3A_292] : memref<512x32xf32, #tpu.memory_space<vmem>>[vector<16xi32>, vector<16xi32>], vector<16xf32>,
        %mul3A_294 = arith.constant 16 : i32
        %mul3A_295 = arith.muli %add3A_172, %mul3A_294 : i32
        %swap3A_296 = arith.constant 13 : i32
        %swap3A_297 = arith.index_cast %swap3A_296 : i32 to index
        %swap3A_298 = arith.index_cast %mul3A_295 : i32 to index
        %swap3A_299 = tpu.vector_load %arg11[%swap3A_297, %swap3A_298] {strides = array<i32>} : memref<32x512xf32, #tpu.memory_space<vmem>>, vector<16xf32>,
        tpu.vector_store %arg11[%swap3A_297, %swap3A_298], %gather3A_293 {strides = array<i32>} : memref<32x512xf32, #tpu.memory_space<vmem>>, vector<16xf32>,
        %broadcast_in_dim3A_300 = arith.constant 14 : i32
        %broadcast_in_dim3A_301 = vector.broadcast %broadcast_in_dim3A_300 : i32 to vector<16xi32>
        %gather3A_302 = tpu.vector_load_idx %arg9[%add3A_176, %broadcast_in_dim3A_301] : memref<512x32xf32, #tpu.memory_space<vmem>>[vector<16xi32>, vector<16xi32>], vector<16xf32>,
        %mul3A_303 = arith.constant 16 : i32
        %mul3A_304 = arith.muli %add3A_172, %mul3A_303 : i32
        %swap3A_305 = arith.constant 14 : i32
        %swap3A_306 = arith.index_cast %swap3A_305 : i32 to index
        %swap3A_307 = arith.index_cast %mul3A_304 : i32 to index
        %swap3A_308 = tpu.vector_load %arg11[%swap3A_306, %swap3A_307] {strides = array<i32>} : memref<32x512xf32, #tpu.memory_space<vmem>>, vector<16xf32>,
        tpu.vector_store %arg11[%swap3A_306, %swap3A_307], %gather3A_302 {strides = array<i32>} : memref<32x512xf32, #tpu.memory_space<vmem>>, vector<16xf32>,
        %broadcast_in_dim3A_309 = arith.constant 15 : i32
        %broadcast_in_dim3A_310 = vector.broadcast %broadcast_in_dim3A_309 : i32 to vector<16xi32>
        %gather3A_311 = tpu.vector_load_idx %arg9[%add3A_176, %broadcast_in_dim3A_310] : memref<512x32xf32, #tpu.memory_space<vmem>>[vector<16xi32>, vector<16xi32>], vector<16xf32>,
        %mul3A_312 = arith.constant 16 : i32
        %mul3A_313 = arith.muli %add3A_172, %mul3A_312 : i32
        %swap3A_314 = arith.constant 15 : i32
        %swap3A_315 = arith.index_cast %swap3A_314 : i32 to index
        %swap3A_316 = arith.index_cast %mul3A_313 : i32 to index
        %swap3A_317 = tpu.vector_load %arg11[%swap3A_315, %swap3A_316] {strides = array<i32>} : memref<32x512xf32, #tpu.memory_space<vmem>>, vector<16xf32>,
        tpu.vector_store %arg11[%swap3A_315, %swap3A_316], %gather3A_311 {strides = array<i32>} : memref<32x512xf32, #tpu.memory_space<vmem>>, vector<16xf32>,
        %broadcast_in_dim3A_318 = arith.constant 16 : i32
        %broadcast_in_dim3A_319 = vector.broadcast %broadcast_in_dim3A_318 : i32 to vector<16xi32>
        %gather3A_320 = tpu.vector_load_idx %arg9[%add3A_176, %broadcast_in_dim3A_319] : memref<512x32xf32, #tpu.memory_space<vmem>>[vector<16xi32>, vector<16xi32>], vector<16xf32>,
        %mul3A_321 = arith.constant 16 : i32
        %mul3A_322 = arith.muli %add3A_172, %mul3A_321 : i32
        %swap3A_323 = arith.constant 16 : i32
        %swap3A_324 = arith.index_cast %swap3A_323 : i32 to index
        %swap3A_325 = arith.index_cast %mul3A_322 : i32 to index
        %swap3A_326 = tpu.vector_load %arg11[%swap3A_324, %swap3A_325] {strides = array<i32>} : memref<32x512xf32, #tpu.memory_space<vmem>>, vector<16xf32>,
        tpu.vector_store %arg11[%swap3A_324, %swap3A_325], %gather3A_320 {strides = array<i32>} : memref<32x512xf32, #tpu.memory_space<vmem>>, vector<16xf32>,
        %broadcast_in_dim3A_327 = arith.constant 17 : i32
        %broadcast_in_dim3A_328 = vector.broadcast %broadcast_in_dim3A_327 : i32 to vector<16xi32>
        %gather3A_329 = tpu.vector_load_idx %arg9[%add3A_176, %broadcast_in_dim3A_328] : memref<512x32xf32, #tpu.memory_space<vmem>>[vector<16xi32>, vector<16xi32>], vector<16xf32>,
        %mul3A_330 = arith.constant 16 : i32
        %mul3A_331 = arith.muli %add3A_172, %mul3A_330 : i32
        %swap3A_332 = arith.constant 17 : i32
        %swap3A_333 = arith.index_cast %swap3A_332 : i32 to index
        %swap3A_334 = arith.index_cast %mul3A_331 : i32 to index
        %swap3A_335 = tpu.vector_load %arg11[%swap3A_333, %swap3A_334] {strides = array<i32>} : memref<32x512xf32, #tpu.memory_space<vmem>>, vector<16xf32>,
        tpu.vector_store %arg11[%swap3A_333, %swap3A_334], %gather3A_329 {strides = array<i32>} : memref<32x512xf32, #tpu.memory_space<vmem>>, vector<16xf32>,
        %broadcast_in_dim3A_336 = arith.constant 18 : i32
        %broadcast_in_dim3A_337 = vector.broadcast %broadcast_in_dim3A_336 : i32 to vector<16xi32>
        %gather3A_338 = tpu.vector_load_idx %arg9[%add3A_176, %broadcast_in_dim3A_337] : memref<512x32xf32, #tpu.memory_space<vmem>>[vector<16xi32>, vector<16xi32>], vector<16xf32>,
        %mul3A_339 = arith.constant 16 : i32
        %mul3A_340 = arith.muli %add3A_172, %mul3A_339 : i32
        %swap3A_341 = arith.constant 18 : i32
        %swap3A_342 = arith.index_cast %swap3A_341 : i32 to index
        %swap3A_343 = arith.index_cast %mul3A_340 : i32 to index
        %swap3A_344 = tpu.vector_load %arg11[%swap3A_342, %swap3A_343] {strides = array<i32>} : memref<32x512xf32, #tpu.memory_space<vmem>>, vector<16xf32>,
        tpu.vector_store %arg11[%swap3A_342, %swap3A_343], %gather3A_338 {strides = array<i32>} : memref<32x512xf32, #tpu.memory_space<vmem>>, vector<16xf32>,
        %broadcast_in_dim3A_345 = arith.constant 19 : i32
        %broadcast_in_dim3A_346 = vector.broadcast %broadcast_in_dim3A_345 : i32 to vector<16xi32>
        %gather3A_347 = tpu.vector_load_idx %arg9[%add3A_176, %broadcast_in_dim3A_346] : memref<512x32xf32, #tpu.memory_space<vmem>>[vector<16xi32>, vector<16xi32>], vector<16xf32>,
        %mul3A_348 = arith.constant 16 : i32
        %mul3A_349 = arith.muli %add3A_172, %mul3A_348 : i32
        %swap3A_350 = arith.constant 19 : i32
        %swap3A_351 = arith.index_cast %swap3A_350 : i32 to index
        %swap3A_352 = arith.index_cast %mul3A_349 : i32 to index
        %swap3A_353 = tpu.vector_load %arg11[%swap3A_351, %swap3A_352] {strides = array<i32>} : memref<32x512xf32, #tpu.memory_space<vmem>>, vector<16xf32>,
        tpu.vector_store %arg11[%swap3A_351, %swap3A_352], %gather3A_347 {strides = array<i32>} : memref<32x512xf32, #tpu.memory_space<vmem>>, vector<16xf32>,
        %broadcast_in_dim3A_354 = arith.constant 20 : i32
        %broadcast_in_dim3A_355 = vector.broadcast %broadcast_in_dim3A_354 : i32 to vector<16xi32>
        %gather3A_356 = tpu.vector_load_idx %arg9[%add3A_176, %broadcast_in_dim3A_355] : memref<512x32xf32, #tpu.memory_space<vmem>>[vector<16xi32>, vector<16xi32>], vector<16xf32>,
        %mul3A_357 = arith.constant 16 : i32
        %mul3A_358 = arith.muli %add3A_172, %mul3A_357 : i32
        %swap3A_359 = arith.constant 20 : i32
        %swap3A_360 = arith.index_cast %swap3A_359 : i32 to index
        %swap3A_361 = arith.index_cast %mul3A_358 : i32 to index
        %swap3A_362 = tpu.vector_load %arg11[%swap3A_360, %swap3A_361] {strides = array<i32>} : memref<32x512xf32, #tpu.memory_space<vmem>>, vector<16xf32>,
        tpu.vector_store %arg11[%swap3A_360, %swap3A_361], %gather3A_356 {strides = array<i32>} : memref<32x512xf32, #tpu.memory_space<vmem>>, vector<16xf32>,
        %broadcast_in_dim3A_363 = arith.constant 21 : i32
        %broadcast_in_dim3A_364 = vector.broadcast %broadcast_in_dim3A_363 : i32 to vector<16xi32>
        %gather3A_365 = tpu.vector_load_idx %arg9[%add3A_176, %broadcast_in_dim3A_364] : memref<512x32xf32, #tpu.memory_space<vmem>>[vector<16xi32>, vector<16xi32>], vector<16xf32>,
        %mul3A_366 = arith.constant 16 : i32
        %mul3A_367 = arith.muli %add3A_172, %mul3A_366 : i32
        %swap3A_368 = arith.constant 21 : i32
        %swap3A_369 = arith.index_cast %swap3A_368 : i32 to index
        %swap3A_370 = arith.index_cast %mul3A_367 : i32 to index
        %swap3A_371 = tpu.vector_load %arg11[%swap3A_369, %swap3A_370] {strides = array<i32>} : memref<32x512xf32, #tpu.memory_space<vmem>>, vector<16xf32>,
        tpu.vector_store %arg11[%swap3A_369, %swap3A_370], %gather3A_365 {strides = array<i32>} : memref<32x512xf32, #tpu.memory_space<vmem>>, vector<16xf32>,
        %broadcast_in_dim3A_372 = arith.constant 22 : i32
        %broadcast_in_dim3A_373 = vector.broadcast %broadcast_in_dim3A_372 : i32 to vector<16xi32>
        %gather3A_374 = tpu.vector_load_idx %arg9[%add3A_176, %broadcast_in_dim3A_373] : memref<512x32xf32, #tpu.memory_space<vmem>>[vector<16xi32>, vector<16xi32>], vector<16xf32>,
        %mul3A_375 = arith.constant 16 : i32
        %mul3A_376 = arith.muli %add3A_172, %mul3A_375 : i32
        %swap3A_377 = arith.constant 22 : i32
        %swap3A_378 = arith.index_cast %swap3A_377 : i32 to index
        %swap3A_379 = arith.index_cast %mul3A_376 : i32 to index
        %swap3A_380 = tpu.vector_load %arg11[%swap3A_378, %swap3A_379] {strides = array<i32>} : memref<32x512xf32, #tpu.memory_space<vmem>>, vector<16xf32>,
        tpu.vector_store %arg11[%swap3A_378, %swap3A_379], %gather3A_374 {strides = array<i32>} : memref<32x512xf32, #tpu.memory_space<vmem>>, vector<16xf32>,
        %broadcast_in_dim3A_381 = arith.constant 23 : i32
        %broadcast_in_dim3A_382 = vector.broadcast %broadcast_in_dim3A_381 : i32 to vector<16xi32>
        %gather3A_383 = tpu.vector_load_idx %arg9[%add3A_176, %broadcast_in_dim3A_382] : memref<512x32xf32, #tpu.memory_space<vmem>>[vector<16xi32>, vector<16xi32>], vector<16xf32>,
        %mul3A_384 = arith.constant 16 : i32
        %mul3A_385 = arith.muli %add3A_172, %mul3A_384 : i32
        %swap3A_386 = arith.constant 23 : i32
        %swap3A_387 = arith.index_cast %swap3A_386 : i32 to index
        %swap3A_388 = arith.index_cast %mul3A_385 : i32 to index
        %swap3A_389 = tpu.vector_load %arg11[%swap3A_387, %swap3A_388] {strides = array<i32>} : memref<32x512xf32, #tpu.memory_space<vmem>>, vector<16xf32>,
        tpu.vector_store %arg11[%swap3A_387, %swap3A_388], %gather3A_383 {strides = array<i32>} : memref<32x512xf32, #tpu.memory_space<vmem>>, vector<16xf32>,
        %broadcast_in_dim3A_390 = arith.constant 24 : i32
        %broadcast_in_dim3A_391 = vector.broadcast %broadcast_in_dim3A_390 : i32 to vector<16xi32>
        %gather3A_392 = tpu.vector_load_idx %arg9[%add3A_176, %broadcast_in_dim3A_391] : memref<512x32xf32, #tpu.memory_space<vmem>>[vector<16xi32>, vector<16xi32>], vector<16xf32>,
        %mul3A_393 = arith.constant 16 : i32
        %mul3A_394 = arith.muli %add3A_172, %mul3A_393 : i32
        %swap3A_395 = arith.constant 24 : i32
        %swap3A_396 = arith.index_cast %swap3A_395 : i32 to index
        %swap3A_397 = arith.index_cast %mul3A_394 : i32 to index
        %swap3A_398 = tpu.vector_load %arg11[%swap3A_396, %swap3A_397] {strides = array<i32>} : memref<32x512xf32, #tpu.memory_space<vmem>>, vector<16xf32>,
        tpu.vector_store %arg11[%swap3A_396, %swap3A_397], %gather3A_392 {strides = array<i32>} : memref<32x512xf32, #tpu.memory_space<vmem>>, vector<16xf32>,
        %broadcast_in_dim3A_399 = arith.constant 25 : i32
        %broadcast_in_dim3A_400 = vector.broadcast %broadcast_in_dim3A_399 : i32 to vector<16xi32>
        %gather3A_401 = tpu.vector_load_idx %arg9[%add3A_176, %broadcast_in_dim3A_400] : memref<512x32xf32, #tpu.memory_space<vmem>>[vector<16xi32>, vector<16xi32>], vector<16xf32>,
        %mul3A_402 = arith.constant 16 : i32
        %mul3A_403 = arith.muli %add3A_172, %mul3A_402 : i32
        %swap3A_404 = arith.constant 25 : i32
        %swap3A_405 = arith.index_cast %swap3A_404 : i32 to index
        %swap3A_406 = arith.index_cast %mul3A_403 : i32 to index
        %swap3A_407 = tpu.vector_load %arg11[%swap3A_405, %swap3A_406] {strides = array<i32>} : memref<32x512xf32, #tpu.memory_space<vmem>>, vector<16xf32>,
        tpu.vector_store %arg11[%swap3A_405, %swap3A_406], %gather3A_401 {strides = array<i32>} : memref<32x512xf32, #tpu.memory_space<vmem>>, vector<16xf32>,
        %broadcast_in_dim3A_408 = arith.constant 26 : i32
        %broadcast_in_dim3A_409 = vector.broadcast %broadcast_in_dim3A_408 : i32 to vector<16xi32>
        %gather3A_410 = tpu.vector_load_idx %arg9[%add3A_176, %broadcast_in_dim3A_409] : memref<512x32xf32, #tpu.memory_space<vmem>>[vector<16xi32>, vector<16xi32>], vector<16xf32>,
        %mul3A_411 = arith.constant 16 : i32
        %mul3A_412 = arith.muli %add3A_172, %mul3A_411 : i32
        %swap3A_413 = arith.constant 26 : i32
        %swap3A_414 = arith.index_cast %swap3A_413 : i32 to index
        %swap3A_415 = arith.index_cast %mul3A_412 : i32 to index
        %swap3A_416 = tpu.vector_load %arg11[%swap3A_414, %swap3A_415] {strides = array<i32>} : memref<32x512xf32, #tpu.memory_space<vmem>>, vector<16xf32>,
        tpu.vector_store %arg11[%swap3A_414, %swap3A_415], %gather3A_410 {strides = array<i32>} : memref<32x512xf32, #tpu.memory_space<vmem>>, vector<16xf32>,
        %broadcast_in_dim3A_417 = arith.constant 27 : i32
        %broadcast_in_dim3A_418 = vector.broadcast %broadcast_in_dim3A_417 : i32 to vector<16xi32>
        %gather3A_419 = tpu.vector_load_idx %arg9[%add3A_176, %broadcast_in_dim3A_418] : memref<512x32xf32, #tpu.memory_space<vmem>>[vector<16xi32>, vector<16xi32>], vector<16xf32>,
        %mul3A_420 = arith.constant 16 : i32
        %mul3A_421 = arith.muli %add3A_172, %mul3A_420 : i32
        %swap3A_422 = arith.constant 27 : i32
        %swap3A_423 = arith.index_cast %swap3A_422 : i32 to index
        %swap3A_424 = arith.index_cast %mul3A_421 : i32 to index
        %swap3A_425 = tpu.vector_load %arg11[%swap3A_423, %swap3A_424] {strides = array<i32>} : memref<32x512xf32, #tpu.memory_space<vmem>>, vector<16xf32>,
        tpu.vector_store %arg11[%swap3A_423, %swap3A_424], %gather3A_419 {strides = array<i32>} : memref<32x512xf32, #tpu.memory_space<vmem>>, vector<16xf32>,
        %broadcast_in_dim3A_426 = arith.constant 28 : i32
        %broadcast_in_dim3A_427 = vector.broadcast %broadcast_in_dim3A_426 : i32 to vector<16xi32>
        %gather3A_428 = tpu.vector_load_idx %arg9[%add3A_176, %broadcast_in_dim3A_427] : memref<512x32xf32, #tpu.memory_space<vmem>>[vector<16xi32>, vector<16xi32>], vector<16xf32>,
        %mul3A_429 = arith.constant 16 : i32
        %mul3A_430 = arith.muli %add3A_172, %mul3A_429 : i32
        %swap3A_431 = arith.constant 28 : i32
        %swap3A_432 = arith.index_cast %swap3A_431 : i32 to index
        %swap3A_433 = arith.index_cast %mul3A_430 : i32 to index
        %swap3A_434 = tpu.vector_load %arg11[%swap3A_432, %swap3A_433] {strides = array<i32>} : memref<32x512xf32, #tpu.memory_space<vmem>>, vector<16xf32>,
        tpu.vector_store %arg11[%swap3A_432, %swap3A_433], %gather3A_428 {strides = array<i32>} : memref<32x512xf32, #tpu.memory_space<vmem>>, vector<16xf32>,
        %broadcast_in_dim3A_435 = arith.constant 29 : i32
        %broadcast_in_dim3A_436 = vector.broadcast %broadcast_in_dim3A_435 : i32 to vector<16xi32>
        %gather3A_437 = tpu.vector_load_idx %arg9[%add3A_176, %broadcast_in_dim3A_436] : memref<512x32xf32, #tpu.memory_space<vmem>>[vector<16xi32>, vector<16xi32>], vector<16xf32>,
        %mul3A_438 = arith.constant 16 : i32
        %mul3A_439 = arith.muli %add3A_172, %mul3A_438 : i32
        %swap3A_440 = arith.constant 29 : i32
        %swap3A_441 = arith.index_cast %swap3A_440 : i32 to index
        %swap3A_442 = arith.index_cast %mul3A_439 : i32 to index
        %swap3A_443 = tpu.vector_load %arg11[%swap3A_441, %swap3A_442] {strides = array<i32>} : memref<32x512xf32, #tpu.memory_space<vmem>>, vector<16xf32>,
        tpu.vector_store %arg11[%swap3A_441, %swap3A_442], %gather3A_437 {strides = array<i32>} : memref<32x512xf32, #tpu.memory_space<vmem>>, vector<16xf32>,
        %broadcast_in_dim3A_444 = arith.constant 30 : i32
        %broadcast_in_dim3A_445 = vector.broadcast %broadcast_in_dim3A_444 : i32 to vector<16xi32>
        %gather3A_446 = tpu.vector_load_idx %arg9[%add3A_176, %broadcast_in_dim3A_445] : memref<512x32xf32, #tpu.memory_space<vmem>>[vector<16xi32>, vector<16xi32>], vector<16xf32>,
        %mul3A_447 = arith.constant 16 : i32
        %mul3A_448 = arith.muli %add3A_172, %mul3A_447 : i32
        %swap3A_449 = arith.constant 30 : i32
        %swap3A_450 = arith.index_cast %swap3A_449 : i32 to index
        %swap3A_451 = arith.index_cast %mul3A_448 : i32 to index
        %swap3A_452 = tpu.vector_load %arg11[%swap3A_450, %swap3A_451] {strides = array<i32>} : memref<32x512xf32, #tpu.memory_space<vmem>>, vector<16xf32>,
        tpu.vector_store %arg11[%swap3A_450, %swap3A_451], %gather3A_446 {strides = array<i32>} : memref<32x512xf32, #tpu.memory_space<vmem>>, vector<16xf32>,
        %broadcast_in_dim3A_453 = arith.constant 31 : i32
        %broadcast_in_dim3A_454 = vector.broadcast %broadcast_in_dim3A_453 : i32 to vector<16xi32>
        %gather3A_455 = tpu.vector_load_idx %arg9[%add3A_176, %broadcast_in_dim3A_454] : memref<512x32xf32, #tpu.memory_space<vmem>>[vector<16xi32>, vector<16xi32>], vector<16xf32>,
        %mul3A_456 = arith.constant 16 : i32
        %mul3A_457 = arith.muli %add3A_172, %mul3A_456 : i32
        %swap3A_458 = arith.constant 31 : i32
        %swap3A_459 = arith.index_cast %swap3A_458 : i32 to index
        %swap3A_460 = arith.index_cast %mul3A_457 : i32 to index
        %swap3A_461 = tpu.vector_load %arg11[%swap3A_459, %swap3A_460] {strides = array<i32>} : memref<32x512xf32, #tpu.memory_space<vmem>>, vector<16xf32>,
        tpu.vector_store %arg11[%swap3A_459, %swap3A_460], %gather3A_455 {strides = array<i32>} : memref<32x512xf32, #tpu.memory_space<vmem>>, vector<16xf32>,
      }
      %scan3A_163 = arith.constant 32 : i32
      %mul3A_164 = arith.constant 32 : i32
      %mul3A_165 = arith.muli %add3A_11, %mul3A_164 : i32
      "tpu.region"() ({
        %run_scoped3A = tpu.sem_alloc : memref<!tpu.dma_semaphore, #tpu.memory_space<semaphore_mem>>
        %dma_start3A_168 = tpu.memref_slice %arg5[%mul3A_165, %mul3A_2] : memref<1600x16384xf32, #tpu.memory_space<hbm>> -> memref<32x512xf32, #tpu.memory_space<hbm>>
        %dma_start3A_169 = tpu.memref_slice %arg5[%mul3A_165, %mul3A_2] : memref<1600x16384xf32, #tpu.memory_space<hbm>> -> memref<32x512xf32, #tpu.memory_space<hbm>>
        tpu.enqueue_dma source(%arg10 : memref<32x512xf32, #tpu.memory_space<vmem>>) target(%dma_start3A_169 : memref<32x512xf32, #tpu.memory_space<hbm>>) target_semaphore(%run_scoped3A : memref<!tpu.dma_semaphore, #tpu.memory_space<semaphore_mem>>)
        %dma_wait3A_170 = tpu.memref_slice %arg5[%mul3A_165, %mul3A_2] : memref<1600x16384xf32, #tpu.memory_space<hbm>> -> memref<32x512xf32, #tpu.memory_space<hbm>>
        %dma_wait3A_171 = tpu.memref_slice %arg5[%mul3A_165, %mul3A_2] : memref<1600x16384xf32, #tpu.memory_space<hbm>> -> memref<32x512xf32, #tpu.memory_space<hbm>>
        tpu.wait_dma2 semaphore(%run_scoped3A : memref<!tpu.dma_semaphore, #tpu.memory_space<semaphore_mem>>) src(%arg10 : memref<32x512xf32, #tpu.memory_space<vmem>>) dst(%dma_wait3A_171 : memref<32x512xf32, #tpu.memory_space<hbm>>)
        tpu.yield
      }) : () -> ()
      %mul3A_166 = arith.constant 32 : i32
      %mul3A_167 = arith.muli %add3A_11, %mul3A_166 : i32
      "tpu.region"() ({
        %run_scoped3A = tpu.sem_alloc : memref<!tpu.dma_semaphore, #tpu.memory_space<semaphore_mem>>
        %dma_start3A_168 = tpu.memref_slice %arg6[%mul3A_167, %mul3A_2] : memref<1600x16384xf32, #tpu.memory_space<hbm>> -> memref<32x512xf32, #tpu.memory_space<hbm>>
        %dma_start3A_169 = tpu.memref_slice %arg6[%mul3A_167, %mul3A_2] : memref<1600x16384xf32, #tpu.memory_space<hbm>> -> memref<32x512xf32, #tpu.memory_space<hbm>>
        tpu.enqueue_dma source(%arg11 : memref<32x512xf32, #tpu.memory_space<vmem>>) target(%dma_start3A_169 : memref<32x512xf32, #tpu.memory_space<hbm>>) target_semaphore(%run_scoped3A : memref<!tpu.dma_semaphore, #tpu.memory_space<semaphore_mem>>)
        %dma_wait3A_170 = tpu.memref_slice %arg6[%mul3A_167, %mul3A_2] : memref<1600x16384xf32, #tpu.memory_space<hbm>> -> memref<32x512xf32, #tpu.memory_space<hbm>>
        %dma_wait3A_171 = tpu.memref_slice %arg6[%mul3A_167, %mul3A_2] : memref<1600x16384xf32, #tpu.memory_space<hbm>> -> memref<32x512xf32, #tpu.memory_space<hbm>>
        tpu.wait_dma2 semaphore(%run_scoped3A : memref<!tpu.dma_semaphore, #tpu.memory_space<semaphore_mem>>) src(%arg11 : memref<32x512xf32, #tpu.memory_space<vmem>>) dst(%dma_wait3A_171 : memref<32x512xf32, #tpu.memory_space<hbm>>)
        tpu.yield
      }) : () -> ()
    }
    %scan3A_6 = arith.constant 50 : i32
    return
  }
}

</mosaic_0001>

<sc_bundles>
// kernel: _run.3.cloned.1.call-start
scs
__scs_entry_jumppad:
0x0: {  	(pc) =	sbr.rel $0x88, $3  }
0x1: {  	(tag) =	ssettag $0x0;
	lr =	simm.s32 $0x1  }
0x2: {  	[smem:$0x3F9E] =	sst lr;
	_ =	strace $0xD0000000  }
0x3: {  	_ = 	snop  }
0x4: {  	_ = 	snop  }
0x5: {  	_ = 	snop  }
0x6: {  	_ = 	snop  }
0x7: {  	_ = 	snop  }
__scs_overlays_trampoline_lowered:
0x8: {  	[smem:$0x3FAD] =	sst s0  }
0x9: {  	[smem:$0x3FAE] =	sst s1  }
0xa: {  	[smem:$0x3FAF] =	sst s2  }
0xb: {  	[smem:$0x3FB0] =	sst s3  }
0xc: {  	[smem:$0x3FB1] =	sst s4  }
0xd: {  	[smem:$0x3FB2] =	sst s5  }
0xe: {  	[smem:$0x3FB3] =	sst s6  }
0xf: {  	[smem:$0x3FB4] =	sst s7  }
0x10: {  	[smem:$0x3FB5] =	sst s8  }
0x11: {  	[smem:$0x3FB6] =	sst s9;
	s0 =	simm.s32 @!p0 $0x0  }
0x12: {  	s1 =	sld [smem:$0x3F9C];
	s0 =	simm.s32 @p0 $0x1  }
0x13: {  	[smem:$0x3FB7] =	sst s0;
	s0 =	simm.s32 @!p1 $0x0  }
0x14: {  	s2 =	sld [smem:$0x3F9B];
	s0 =	simm.s32 @p1 $0x1  }
0x15: {  	[smem:$0x3FB8] =	sst s0;
	s0 =	simm.s32 @!p2 $0x0  }
0x16: {  	s3 =	sld [smem:$0x3FDB];
	s0 =	simm.s32 @p2 $0x1  }
0x17: {  	s4 =	simm.s32 $0x1BF5;
	[smem:$0x3FBA] =	sst s0  }
0x18: {  	s0 =	sld [smem:$0x3F9D];
	_ =	swait.ge [sflag:s4], $0x0  }
0x19: {  	s7 =	sld [smem:$0x3F9E]  }
0x1a: {  	s8 =	sadd.s32 $0xFFFFE003, lr  }
0x1b: {  	s9 =	sadd.s32 $0xFFFFFEF7, lr;
	s5 =	simm.s32 $0xFFFFFFFF;
	p2 =	slt.u32 s8, $0xFFFFF086  }
0x1c: {  	p1 =	slt.u32 s9, $0xF7A;
	s5 =	simm.s32 @!p2 $0x0  }
0x1d: {  	s5 =	simm.s32 @p1 $0x1;
	p0 =	seq.s32 s7, s2  }
0x1e: {  	s7 =	smul.u32 @!p0 $0xF7A, s2;
	p2 =	seq.s32 @!p0 s5, $0x0  }
0x1f: {  	s9 =	smul.u32 $0xF7A, s1;
	s8 =	simm.s32 @!p0 $0x1BF5;
	p2 =	por !p2, p0  }
0x20: {  	[sflag:s8] =	ssyncset.s32 @!p0 $0xFFFFF086;
	s6 =	sadd.s32 @!p0 s3, s7;
	s7 =	simm.s32 @!p0 $0x108  }
0x21: {  	s3 =	sadd.s32 s3, s9;
	s6 =	sadd.s32 @!p0 $0x88, s6;
	s7 =	simm.s32 @p2 $0x1082  }
0x22: {  	[simem:s7], [sflag:s8] =	dma.local @!p0 [hbm:s6], $0xF7A  }
0x23: {  	s9 =	sor.u32 $0xD0000000, s2;
	s6 =	simm.s32 $0x108;
	_ =	swait.ge @!p0 [sflag:s8], $0x0  }
0x24: {  	s3 =	sadd.s32 $0x88, s3;
	s6 =	simm.s32 @!p1 $0x1082;
	[sflag:s4] =	ssyncset.s32 $0xFFFFF086  }
0x25: {  	[simem:s6], [sflag:s4] =	dma.local [hbm:s3], $0xF7A  }
0x26: {  	[smem:$0x3F9E] =	sst s1;
	(tag) =	ssettag s2;
	_ =	strace s9  }
0x27: {  	s1 =	sld [smem:$0x3FAE]  }
0x28: {  	s2 =	sld [smem:$0x3FAF]  }
0x29: {  	s4 =	sld [smem:$0x3FB1]  }
0x2a: {  	p0 =	seq.s32 s5, $0x0;
	s5 =	sld [smem:$0x3FB2]  }
0x2b: {  	s6 =	sld [smem:$0x3FB3]  }
0x2c: {  	s7 =	sld [smem:$0x3FB4]  }
0x2d: {  	s3 =	simm.s32 $0x108;
	s8 =	sld [smem:$0x3FB5]  }
0x2e: {  	s3 =	simm.s32 @!p0 $0x1082;
	s9 =	sld [smem:$0x3FB6]  }
0x2f: {  	lr =	sadd.s32 s0, s3;
	s0 =	sld [smem:$0x3FAD]  }
0x30: {  	s3 =	sld [smem:$0x3FB0]  }
0x31: {  	[smem:$0x3FB9] =	sst s10  }
0x32: {  	s10 =	sld [smem:$0x3FB7];
	_ =	sdelay $0x3  }
0x33: {  	p0 =	seq.s32 s10, $0x1;
	s10 =	sld [smem:$0x3FB9];
	_ =	sdelay $0x3  }
0x34: {  	[smem:$0x3FB9] =	sst s10  }
0x35: {  	s10 =	sld [smem:$0x3FB8];
	_ =	sdelay $0x3  }
0x36: {  	p1 =	seq.s32 s10, $0x1;
	s10 =	sld [smem:$0x3FB9];
	_ =	sdelay $0x3  }
0x37: {  	[smem:$0x3FB9] =	sst s10  }
0x38: {  	s10 =	sld [smem:$0x3FBA]  }
0x39: {  	_ = 	snop;
	(pc) =	sbr.ind lr, $3  }
0x3a: {  	_ = 	snop  }
0x3b: {  	_ = 	snop  }
0x3c: {  	p2 =	seq.s32 s10, $0x1;
	s10 =	sld [smem:$0x3FB9]  }
0x3d: {  	_ =	shalt  }
0x3e: {  	_ =	shalt  }
0x3f: {  	_ =	shalt  }
0x40: {  	_ =	shalt  }
0x41: {  	_ =	shalt  }
0x42: {  	_ =	shalt  }
0x43: {  	_ =	shalt  }
0x44: {  	_ =	shalt  }
0x45: {  	_ =	shalt  }
0x46: {  	_ =	shalt  }
0x47: {  	_ =	shalt  }
0x48: {  	_ =	shalt  }
0x49: {  	_ =	shalt  }
0x4a: {  	_ =	shalt  }
0x4b: {  	_ =	shalt  }
0x4c: {  	_ =	shalt  }
0x4d: {  	_ =	shalt  }
0x4e: {  	_ =	shalt  }
0x4f: {  	_ =	shalt  }
0x50: {  	_ =	shalt  }
0x51: {  	_ =	shalt  }
0x52: {  	_ =	shalt  }
0x53: {  	_ =	shalt  }
0x54: {  	_ =	shalt  }
0x55: {  	_ =	shalt  }
0x56: {  	_ =	shalt  }
0x57: {  	_ =	shalt  }
0x58: {  	_ =	shalt  }
0x59: {  	_ =	shalt  }
0x5a: {  	_ =	shalt  }
0x5b: {  	_ =	shalt  }
0x5c: {  	_ =	shalt  }
0x5d: {  	_ =	shalt  }
0x5e: {  	_ =	shalt  }
0x5f: {  	_ =	shalt  }
0x60: {  	_ =	shalt  }
0x61: {  	_ =	shalt  }
0x62: {  	_ =	shalt  }
0x63: {  	_ =	shalt  }
0x64: {  	_ =	shalt  }
0x65: {  	_ =	shalt  }
0x66: {  	_ =	shalt  }
0x67: {  	_ =	shalt  }
0x68: {  	_ =	shalt  }
0x69: {  	_ =	shalt  }
0x6a: {  	_ =	shalt  }
0x6b: {  	_ =	shalt  }
0x6c: {  	_ =	shalt  }
0x6d: {  	_ =	shalt  }
0x6e: {  	_ =	shalt  }
0x6f: {  	_ =	shalt  }
0x70: {  	_ =	shalt  }
0x71: {  	_ =	shalt  }
0x72: {  	_ =	shalt  }
0x73: {  	_ =	shalt  }
0x74: {  	_ =	shalt  }
0x75: {  	_ =	shalt  }
0x76: {  	_ =	shalt  }
0x77: {  	_ =	shalt  }
0x78: {  	_ =	shalt  }
0x79: {  	_ =	shalt  }
0x7a: {  	_ =	shalt  }
0x7b: {  	_ =	shalt  }
0x7c: {  	_ =	shalt  }
0x7d: {  	_ =	shalt  }
0x7e: {  	_ =	shalt  }
0x7f: {  	_ =	shalt  }
0x80: {  	_ =	shalt  }
0x81: {  	_ =	shalt  }
0x82: {  	_ =	shalt  }
0x83: {  	_ =	shalt  }
0x84: {  	_ =	shalt  }
0x85: {  	_ =	shalt  }
0x86: {  	_ =	shalt  }
0x87: {  	_ =	shalt  }
.Lfunc_end0:
.L_simem_size_0:
called_computation_lowered:
.L_overlay_start_0:
0x88: {  	s2 =	sld [smem:$0x3FD9]  }
0x89: {  	s3 =	sld [smem:$0x3FFE];
	_ =	sdelay $0x1  }
0x8a: {  	s1 =	srdreg.scid  }
0x8b: {  	s0 =	sand.u32 $0x1, s1  }
0x8c: {  	s14 =	sshll.u32 s0, $0xA;
	s2 =	sadd.s32 s3, s2  }
0x8d: {  	s2 =	sadd.s32 s2, s14  }
0x8e: {  	[smem:$0x3FC5] =	sst s2  }
0x8f: {  	_ = 	snop  }
0x90: {  	s2 =	sld [smem:$0x3FD0];
	_ =	sdelay $0x2  }
0x91: {  	s15 =	simm.s32 $0xA;
	s4 =	simm.s32 $0x10  }
0x92: {  	[smem:s4], [sflag:s15] =	dma.local [hbm:s2], $0x1  }
0x93: {  	_ =	swait.eq [sflag:s15], $0x1  }
0x94: {  	[sflag:s15] =	ssyncset.done $0x0  }
0x95: {  	s16 =	sld [smem:$0x10];
	[sflag:s15] =	ssyncadd.s32 $0xFFFFFFFF  }
0x96: {  	s17 =	sld [smem:$0x11];
	(tm) =	ssettm $0x1  }
0x97: {  	s18 =	sld [smem:$0x3FFB];
	_ =	sdelay $0x3  }
0x98: {  	_ =	strace s18  }
0x99: {  	s4 =	sld [smem:$0x3FFC];
	_ =	sdelay $0x3  }
0x9a: {  	_ =	strace s4  }
0x9b: {  	s4 =	sld [smem:$0x3FFD];
	_ =	sdelay $0x3  }
0x9c: {  	_ =	strace s4  }
0x9d: {  	_ =	strace $0x8FFFFFFF  }
0x9e: {  	s19 =	sld [smem:$0x3FDB];
	_ =	sdelay $0x1  }
0x9f: {  	s5 =	simm.s32 $_scs_section_size  }
0xa0: {  	s6 =	simm.s32 $_size__tile_overlayer_lowered;
	s7 =	simm.s32 $_tile_overlayer_lowered  }
0xa1: {  	s22 =	simm.s32 $0x1BFF;
	s21 =	sshll.u32 s7, $0x1;
	s4 =	sadd.s32 s5, s19  }
0xa2: {  	s8 =	simm.s32 $0x0;
	s20 =	sshll.u32 s6, $0x1;
	s6 =	sadd.s32 s21, s4  }
0xa3: {  	[timem:s8], [sflag:s22] =	dma.local [hbm:s6], s20  }
0xa4: {  	_ =	swait.ge [sflag:s22], s20  }
0xa5: {  	s5 =	ssub.s32 $0x0, s20;
	[sflag:s22] =	ssyncset.done $0x0  }
0xa6: {  	[sflag:s22] =	ssyncadd.s32 s5;
	_ =	sdelay $0x1  }
0xa7: {  	s23 =	simm.s32 $0x1B8B  }
0xa8: {  	_ =	swait.ge [sflag:s23], $0x1  }
0xa9: {  	[sflag:s23] =	ssyncset.done $0x0  }
0xaa: {  	s25 =	simm.s32 $0x1B8E;
	s24 =	sld [smem:$0x3FFE];
	[sflag:s23] =	ssyncadd.s32 $0xFFFFFFFF  }
0xab: {  	s26 =	simm.s32 $execute0_lowered;
	[smem:$0x3FD2] =	sst s25  }
0xac: {  	s6 =	sshll.u32 s26, $0x1;
	_ =	strace $0x80000046;
	[dreg:$0x1] =	wrdreg $0xFFFFFFFF  }
0xad: {  	s28 =	simm.s32 $_size_execute0_lowered;
	s4 =	sadd.s32 s4, s6;
	[dreg:$0x0] =	wrdreg $0x0  }
0xae: {  	s6 =	sshll.u32 s28, $0x1;
	[dreg:$0x2] =	wrdreg s4  }
0xaf: {  	[dreg:$0x3] =	wrdreg s6  }
0xb0: {  	[dreg:$0x4] =	wrdreg $0xC0  }
0xb1: {  	_ =	task [dreg:s8], $0x5FFFF  }
0xb2: {  	[dreg:$0x1] =	wrdreg $0xFFFFFFFF  }
0xb3: {  	[dreg:$0x0] =	wrdreg $0x60  }
0xb4: {  	[dreg:$0x2] =	wrdreg s17  }
0xb5: {  	[dreg:$0x3] =	wrdreg s24  }
0xb6: {  	[dreg:$0x4] =	wrdreg s16  }
0xb7: {  	[dreg:$0x5] =	wrdreg $0x9  }
0xb8: {  	_ =	task.clear_ibuf [dreg:s8], $0x6FFFF;
	_ =	strace $0x90000046  }
0xb9: {  	s29 =	simm.s32 $0x9;
	_ =	strace $0x80000048  }
0xba: {  	_ =	swait.ge [sflag:s29], $0x1  }
0xbb: {  	[sflag:s29] =	ssyncadd.s32 $0xFFFFFFFF  }
0xbc: {  	_ =	strace $0x90000048  }
0xbd: {  	_ =	sfence  }
0xbe: {  	s30 =	sld [smem:$0x0];
	_ =	sdelay $0x2  }
0xbf: {  	s31 =	sshll.u32 s1, $0xD;
	s1 =	sshrl.u32 s1, $0x2  }
0xc0: {  	s3 =	sand.u32 $0x4000, s31;
	s1 =	sadd.s32 s1, s30  }
0xc1: {  	s0 =	sor.u32 s3, s0;
	s1 =	sshll.u32 s1, $0x11  }
0xc2: {  	s0 =	sor.u32 s1, s0  }
0xc3: {  	s0 =	sadd.s32 $0x8F2B, s0  }
0xc4: {  	[sflag:s0] =	ssyncadd.remote.s32 $0x1  }
0xc5: {  	_ =	sfence.sel $0xFFFF  }
0xc6: {  	[dreg:$0x0] =	wrdreg $0xFFFFFFFF;
	(pc) =	sbr.abs _section_cstart, $3  }
0xc7: {  	[dreg:$0x1] =	wrdreg $0xFFFFFFFF  }
0xc8: {  	_ =	task.clear_ibuf [dreg:s8], $0x2FFFF;
	_ =	strace $0x9FFFFFFF  }
0xc9: {  	(tm) =	ssettm $0x7FFFFFFF  }
tec
execute0_lowered:
.L_overlay_start_1:
0x0: {  	(tag) =	ssettag $0x1  }
0x1: {  	s8 =	rddreg [dreg:$0x0]  }
0x2: {  	s7 =	rddreg [dreg:$0x1]  }
0x3: {  	s1 =	rddreg [dreg:$0x2]  }
0x4: {  	s0 =	rddreg [dreg:$0x3];
	s2 =	simm.s32 $0x0  }
0x5: {  	s5 =	srdreg.scid;
	s3 =	stileid.u32;
	s12 =	simm.s32 $0x2  }
0x6: {  	s13 =	simm.s32 $0x80;
	s14 =	simm.s32 $0x6400;
	s15 =	simm.s32 $0xA400  }
0x7: {  	s16 =	simm.s32 $0x7400;
	s17 =	simm.s32 $0xB400;
	s18 =	simm.s32 $0x8400  }
0x8: {  	s19 =	simm.s32 $0xC400;
	s20 =	simm.s32 $0x9400;
	s21 =	simm.s32 $0xD400  }
0x9: {  	s22 =	simm.s32 $0x1;
	s23 =	simm.s32 $0xE400;
	s24 =	simm.s32 $0x12400  }
0xa: {  	s25 =	simm.s32 $0x0;
	[smem:$0x7FF] =	sst s2;
	s4 =	sadd.s32 $0x1313800, s7  }
0xb: {  	s5 =	sand.u32 $0x1, s5;
	s6 =	sshll.u32 s3, $0xA;
	_ =	strace $0x80000047  }
0xc: {  	s9 =	ssub.s32 $0x2, s5;
	s10 =	sshll.u32 s5, $0x9;
	s5 =	sadd.s32 $0xF42E00, s7  }
0xd: {  	s7 =	sadd.s32 $0xA00, s7;
	s11 =	sshrl.u32 s9, $0x1;
	s6 =	sor.u32 s10, s6  }
0xe: {  	v0 =	vlaneseq.u32;
	s9 =	ssub.s32 s9, s11;
	s10 =	sshrl.u32 s6, $0x3;
	s11 =	simm.s32 $0x4000  }
0xf: {  	v0 =	vmul.u32 $0x20, v0;
	s8 =	sadd.s32 s8, s10;
	s9 =	smax.u32 s9, $0x1;
	s10 =	simm.s32 $0x200  }
.LBB2_1:
0x10: {  	[tilespmem:s2], [sflag:$0x2] =	stream.strided.gather [hbm4b:s8+s10], $0x6400, s11, s10, $0x38;
	[tilespmem:$0x16400] =	vst v63  }
0x11: {  	_ =	swait.ge [sflag:s12], $0x6400  }
0x12: {  	[sflag:s12] =	ssyncset.done $0x0  }
0x13: {  	s26 =	simm.s32 $0x0;
	[sflag:s12] =	ssyncadd.s32 $0xFFFF9C00  }
.LBB2_2:
0x14: {  	s28 =	sshll.u32 s26, $0x9  }
0x15: {  	s28 =	sand.u32 $0x3FFFFE00, s28  }
0x16: {  	[tilespmem:s14], [sflag:$0x1] =	stream.indirect.gather [hbm4b:s4+s13], $0x20, s28, s13, $0xb8;
	[tilespmem:$0x16400] =	vst v63  }
0x17: {  	_ = 	snop  }
0x18: {  	[tilespmem:s15], [sflag:$0x1] =	stream.indirect.gather [hbm4b:s5+s13], $0x20, s28, s13, $0xb8;
	[tilespmem:$0x16400] =	vst v63  }
0x19: {  	s29 =	sor.u32 $0x80, s28  }
0x1a: {  	[tilespmem:s16], [sflag:$0x1] =	stream.indirect.gather [hbm4b:s4+s13], $0x20, s29, s13, $0xb8;
	[tilespmem:$0x16400] =	vst v63  }
0x1b: {  	_ = 	snop  }
0x1c: {  	[tilespmem:s17], [sflag:$0x1] =	stream.indirect.gather [hbm4b:s5+s13], $0x20, s29, s13, $0xb8;
	[tilespmem:$0x16400] =	vst v63  }
0x1d: {  	s29 =	sor.u32 $0x100, s28  }
0x1e: {  	[tilespmem:s18], [sflag:$0x1] =	stream.indirect.gather [hbm4b:s4+s13], $0x20, s29, s13, $0xb8;
	[tilespmem:$0x16400] =	vst v63  }
0x1f: {  	_ = 	snop  }
0x20: {  	[tilespmem:s19], [sflag:$0x1] =	stream.indirect.gather [hbm4b:s5+s13], $0x20, s29, s13, $0xb8;
	[tilespmem:$0x16400] =	vst v63  }
0x21: {  	s28 =	sor.u32 $0x180, s28  }
0x22: {  	[tilespmem:s20], [sflag:$0x1] =	stream.indirect.gather [hbm4b:s4+s13], $0x20, s28, s13, $0xb8;
	[tilespmem:$0x16400] =	vst v63  }
0x23: {  	_ = 	snop  }
0x24: {  	[tilespmem:s21], [sflag:$0x1] =	stream.indirect.gather [hbm4b:s5+s13], $0x20, s28, s13, $0xb8;
	[tilespmem:$0x16400] =	vst v63  }
0x25: {  	_ =	swait.ge [sflag:s22], $0x1000  }
0x26: {  	[sflag:s22] =	ssyncset.done $0x0  }
0x27: {  	[sflag:s22] =	ssyncadd.s32 $0xFFFFF000  }
0x28: {  	_ =	swait.ge [sflag:s22], $0x1000  }
0x29: {  	[sflag:s22] =	ssyncset.done $0x0  }
0x2a: {  	[sflag:s22] =	ssyncadd.s32 $0xFFFFF000  }
0x2b: {  	_ =	swait.ge [sflag:s22], $0x1000  }
0x2c: {  	[sflag:s22] =	ssyncset.done $0x0  }
0x2d: {  	[sflag:s22] =	ssyncadd.s32 $0xFFFFF000  }
0x2e: {  	_ =	swait.ge [sflag:s22], $0x1000  }
0x2f: {  	[sflag:s22] =	ssyncset.done $0x0  }
0x30: {  	[sflag:s22] =	ssyncadd.s32 $0xFFFFF000  }
0x31: {  	_ =	swait.ge [sflag:s22], $0x1000  }
0x32: {  	[sflag:s22] =	ssyncset.done $0x0  }
0x33: {  	[sflag:s22] =	ssyncadd.s32 $0xFFFFF000  }
0x34: {  	_ =	swait.ge [sflag:s22], $0x1000  }
0x35: {  	s28 =	simm.s32 $0x0;
	[sflag:s22] =	ssyncset.done $0x0  }
0x36: {  	v1 =	vmov s28;
	[sflag:s22] =	ssyncadd.s32 $0xFFFFF000  }
0x37: {  	v1 =	vshll.u32 v1, $0x5;
	_ =	swait.ge [sflag:s22], $0x1000  }
0x38: {  	v1 =	vor.u32 v0, v1;
	[sflag:s22] =	ssyncset.done $0x0  }
0x39: {  	[sflag:s22] =	ssyncadd.s32 $0xFFFFF000  }
0x3a: {  	_ =	swait.ge [sflag:s22], $0x1000  }
0x3b: {  	[sflag:s22] =	ssyncset.done $0x0  }
0x3c: {  	[sflag:s22] =	ssyncadd.s32 $0xFFFFF000  }
0x3d: {  	v3 =	vld.idx.msk [tilespmem:v1+s14+$0x0], $0xffff  }
0x3e: {  	v2 =	vor.u32 $0x1, v1;
	_ =	sdelay $0x2  }
0x3f: {  	s29 =	simm.s32 $0x10400  }
0x40: {  	[tilespmem:s29+$0xFFFFE000] =	vst v3  }
0x41: {  	v4 =	vld.idx.msk [tilespmem:v2+s14+$0x0], $0xffff  }
0x42: {  	v3 =	vor.u32 $0x2, v1;
	_ =	sdelay $0x3  }
0x43: {  	[tilespmem:s29+$0xFFFFE200] =	vst v4  }
0x44: {  	v5 =	vld.idx.msk [tilespmem:v3+s14+$0x0], $0xffff  }
0x45: {  	v4 =	vor.u32 $0x3, v1;
	_ =	sdelay $0x3  }
0x46: {  	[tilespmem:s29+$0xFFFFE400] =	vst v5  }
0x47: {  	v6 =	vld.idx.msk [tilespmem:v4+s14+$0x0], $0xffff  }
0x48: {  	v5 =	vor.u32 $0x4, v1;
	_ =	sdelay $0x3  }
0x49: {  	[tilespmem:s29+$0xFFFFE600] =	vst v6  }
0x4a: {  	v7 =	vld.idx.msk [tilespmem:v5+s14+$0x0], $0xffff  }
0x4b: {  	v6 =	vor.u32 $0x5, v1;
	_ =	sdelay $0x3  }
0x4c: {  	[tilespmem:s29+$0xFFFFE800] =	vst v7  }
0x4d: {  	v8 =	vld.idx.msk [tilespmem:v6+s14+$0x0], $0xffff  }
0x4e: {  	v7 =	vor.u32 $0x6, v1;
	_ =	sdelay $0x3  }
0x4f: {  	[tilespmem:s29+$0xFFFFEA00] =	vst v8  }
0x50: {  	v9 =	vld.idx.msk [tilespmem:v7+s14+$0x0], $0xffff  }
0x51: {  	v8 =	vor.u32 $0x7, v1;
	_ =	sdelay $0x3  }
0x52: {  	[tilespmem:s29+$0xFFFFEC00] =	vst v9  }
0x53: {  	v10 =	vld.idx.msk [tilespmem:v8+s14+$0x0], $0xffff  }
0x54: {  	v9 =	vor.u32 $0x8, v1;
	_ =	sdelay $0x3  }
0x55: {  	[tilespmem:s29+$0xFFFFEE00] =	vst v10  }
0x56: {  	v11 =	vld.idx.msk [tilespmem:v9+s14+$0x0], $0xffff  }
0x57: {  	v10 =	vor.u32 $0x9, v1;
	_ =	sdelay $0x3  }
0x58: {  	[tilespmem:s29+$0xFFFFF000] =	vst v11  }
0x59: {  	v12 =	vld.idx.msk [tilespmem:v10+s14+$0x0], $0xffff  }
0x5a: {  	v11 =	vor.u32 $0xA, v1;
	_ =	sdelay $0x3  }
0x5b: {  	[tilespmem:s29+$0xFFFFF200] =	vst v12  }
0x5c: {  	v13 =	vld.idx.msk [tilespmem:v11+s14+$0x0], $0xffff  }
0x5d: {  	v12 =	vor.u32 $0xB, v1;
	_ =	sdelay $0x3  }
0x5e: {  	[tilespmem:s29+$0xFFFFF400] =	vst v13  }
0x5f: {  	v14 =	vld.idx.msk [tilespmem:v12+s14+$0x0], $0xffff  }
0x60: {  	v13 =	vor.u32 $0xC, v1;
	_ =	sdelay $0x3  }
0x61: {  	[tilespmem:s29+$0xFFFFF600] =	vst v14  }
0x62: {  	v15 =	vld.idx.msk [tilespmem:v13+s14+$0x0], $0xffff  }
0x63: {  	v14 =	vor.u32 $0xD, v1;
	_ =	sdelay $0x3  }
0x64: {  	[tilespmem:s29+$0xFFFFF800] =	vst v15  }
0x65: {  	v16 =	vld.idx.msk [tilespmem:v14+s14+$0x0], $0xffff  }
0x66: {  	v15 =	vor.u32 $0xE, v1;
	_ =	sdelay $0x3  }
0x67: {  	[tilespmem:s29+$0xFFFFFA00] =	vst v16  }
0x68: {  	v17 =	vld.idx.msk [tilespmem:v15+s14+$0x0], $0xffff  }
0x69: {  	v16 =	vor.u32 $0xF, v1;
	_ =	sdelay $0x3  }
0x6a: {  	[tilespmem:s29+$0xFFFFFC00] =	vst v17  }
0x6b: {  	v18 =	vld.idx.msk [tilespmem:v16+s14+$0x0], $0xffff  }
0x6c: {  	v17 =	vor.u32 $0x10, v1;
	_ =	sdelay $0x3  }
0x6d: {  	[tilespmem:s29+$0xFFFFFE00] =	vst v18  }
0x6e: {  	v19 =	vld.idx.msk [tilespmem:v17+s14+$0x0], $0xffff  }
0x6f: {  	v18 =	vor.u32 $0x11, v1;
	_ =	sdelay $0x3  }
0x70: {  	[tilespmem:s29+$0x0] =	vst v19  }
0x71: {  	v20 =	vld.idx.msk [tilespmem:v18+s14+$0x0], $0xffff  }
0x72: {  	v19 =	vor.u32 $0x12, v1;
	_ =	sdelay $0x3  }
0x73: {  	[tilespmem:s29+$0x200] =	vst v20  }
0x74: {  	v21 =	vld.idx.msk [tilespmem:v19+s14+$0x0], $0xffff  }
0x75: {  	v20 =	vor.u32 $0x13, v1;
	_ =	sdelay $0x3  }
0x76: {  	[tilespmem:s29+$0x400] =	vst v21  }
0x77: {  	v22 =	vld.idx.msk [tilespmem:v20+s14+$0x0], $0xffff  }
0x78: {  	v21 =	vor.u32 $0x14, v1;
	_ =	sdelay $0x3  }
0x79: {  	[tilespmem:s29+$0x600] =	vst v22  }
0x7a: {  	v23 =	vld.idx.msk [tilespmem:v21+s14+$0x0], $0xffff  }
0x7b: {  	v22 =	vor.u32 $0x15, v1;
	_ =	sdelay $0x3  }
0x7c: {  	[tilespmem:s29+$0x800] =	vst v23  }
0x7d: {  	v24 =	vld.idx.msk [tilespmem:v22+s14+$0x0], $0xffff  }
0x7e: {  	v23 =	vor.u32 $0x16, v1;
	_ =	sdelay $0x3  }
0x7f: {  	[tilespmem:s29+$0xA00] =	vst v24  }
0x80: {  	v25 =	vld.idx.msk [tilespmem:v23+s14+$0x0], $0xffff  }
0x81: {  	v24 =	vor.u32 $0x17, v1;
	_ =	sdelay $0x3  }
0x82: {  	[tilespmem:s29+$0xC00] =	vst v25  }
0x83: {  	v26 =	vld.idx.msk [tilespmem:v24+s14+$0x0], $0xffff  }
0x84: {  	v25 =	vor.u32 $0x18, v1;
	_ =	sdelay $0x3  }
0x85: {  	[tilespmem:s29+$0xE00] =	vst v26  }
0x86: {  	v27 =	vld.idx.msk [tilespmem:v25+s14+$0x0], $0xffff  }
0x87: {  	v26 =	vor.u32 $0x19, v1;
	_ =	sdelay $0x3  }
0x88: {  	[tilespmem:s29+$0x1000] =	vst v27  }
0x89: {  	v28 =	vld.idx.msk [tilespmem:v26+s14+$0x0], $0xffff  }
0x8a: {  	v27 =	vor.u32 $0x1A, v1;
	_ =	sdelay $0x3  }
0x8b: {  	[tilespmem:s29+$0x1200] =	vst v28  }
0x8c: {  	v29 =	vld.idx.msk [tilespmem:v27+s14+$0x0], $0xffff  }
0x8d: {  	v28 =	vor.u32 $0x1B, v1;
	_ =	sdelay $0x3  }
0x8e: {  	[tilespmem:s29+$0x1400] =	vst v29  }
0x8f: {  	v30 =	vld.idx.msk [tilespmem:v28+s14+$0x0], $0xffff  }
0x90: {  	v29 =	vor.u32 $0x1C, v1;
	_ =	sdelay $0x3  }
0x91: {  	[tilespmem:s29+$0x1600] =	vst v30  }
0x92: {  	v31 =	vld.idx.msk [tilespmem:v29+s14+$0x0], $0xffff  }
0x93: {  	v30 =	vor.u32 $0x1D, v1;
	_ =	sdelay $0x3  }
0x94: {  	[tilespmem:s29+$0x1800] =	vst v31  }
0x95: {  	v31 =	vld.idx.msk [tilespmem:v30+s14+$0x0], $0xffff  }
0x96: {  	v32 =	vor.u32 $0x1E, v1;
	_ =	sdelay $0x3  }
0x97: {  	[tilespmem:s29+$0x1A00] =	vst v31  }
0x98: {  	v33 =	vld.idx.msk [tilespmem:v32+s14+$0x0], $0xffff  }
0x99: {  	v31 =	vor.u32 $0x1F, v1;
	_ =	sdelay $0x3  }
0x9a: {  	s28 =	simm.s32 $0x10;
	[tilespmem:s29+$0x1C00] =	vst v33  }
0x9b: {  	s30 =	simm.s32 $0x20;
	v33 =	vmov s28;
	v34 =	vld.idx.msk [tilespmem:v31+s14+$0x0], $0xffff  }
.LBB2_3:
0x9c: {  	p0 =	sne.s32 s30, $0x1F0;
	v33 =	vshll.u32 v33, $0x5  }
0x9d: {  	v33 =	vor.u32 v0, v33;
	_ =	sdelay $0x3  }
0x9e: {  	[tilespmem:s29+$0x1E00] =	vst v34  }
0x9f: {  	v34 =	vld.idx.msk [tilespmem:v33+s14+$0x0], $0xffff;
	_ =	sdelay $0x1  }
0xa0: {  	v35 =	vor.u32 $0x1, v33;
	_ =	sdelay $0x2  }
0xa1: {  	s29 =	sadd.s32 $0x10, s29  }
0xa2: {  	[tilespmem:s29+$0xFFFFE000] =	vst v34  }
0xa3: {  	v34 =	vld.idx.msk [tilespmem:v35+s14+$0x0], $0xffff;
	_ =	sdelay $0x1  }
0xa4: {  	v35 =	vor.u32 $0x2, v33;
	_ =	sdelay $0x3  }
0xa5: {  	[tilespmem:s29+$0xFFFFE200] =	vst v34  }
0xa6: {  	v34 =	vld.idx.msk [tilespmem:v35+s14+$0x0], $0xffff;
	_ =	sdelay $0x1  }
0xa7: {  	v35 =	vor.u32 $0x3, v33;
	_ =	sdelay $0x3  }
0xa8: {  	[tilespmem:s29+$0xFFFFE400] =	vst v34  }
0xa9: {  	v34 =	vld.idx.msk [tilespmem:v35+s14+$0x0], $0xffff;
	_ =	sdelay $0x1  }
0xaa: {  	v35 =	vor.u32 $0x4, v33;
	_ =	sdelay $0x3  }
0xab: {  	[tilespmem:s29+$0xFFFFE600] =	vst v34  }
0xac: {  	v34 =	vld.idx.msk [tilespmem:v35+s14+$0x0], $0xffff;
	_ =	sdelay $0x1  }
0xad: {  	v35 =	vor.u32 $0x5, v33;
	_ =	sdelay $0x3  }
0xae: {  	[tilespmem:s29+$0xFFFFE800] =	vst v34  }
0xaf: {  	v34 =	vld.idx.msk [tilespmem:v35+s14+$0x0], $0xffff;
	_ =	sdelay $0x1  }
0xb0: {  	v35 =	vor.u32 $0x6, v33;
	_ =	sdelay $0x3  }
0xb1: {  	[tilespmem:s29+$0xFFFFEA00] =	vst v34  }
0xb2: {  	v34 =	vld.idx.msk [tilespmem:v35+s14+$0x0], $0xffff;
	_ =	sdelay $0x1  }
0xb3: {  	v35 =	vor.u32 $0x7, v33;
	_ =	sdelay $0x3  }
0xb4: {  	[tilespmem:s29+$0xFFFFEC00] =	vst v34  }
0xb5: {  	v34 =	vld.idx.msk [tilespmem:v35+s14+$0x0], $0xffff;
	_ =	sdelay $0x1  }
0xb6: {  	v35 =	vor.u32 $0x8, v33;
	_ =	sdelay $0x3  }
0xb7: {  	[tilespmem:s29+$0xFFFFEE00] =	vst v34  }
0xb8: {  	v34 =	vld.idx.msk [tilespmem:v35+s14+$0x0], $0xffff;
	_ =	sdelay $0x1  }
0xb9: {  	v35 =	vor.u32 $0x9, v33;
	_ =	sdelay $0x3  }
0xba: {  	[tilespmem:s29+$0xFFFFF000] =	vst v34  }
0xbb: {  	v34 =	vld.idx.msk [tilespmem:v35+s14+$0x0], $0xffff;
	_ =	sdelay $0x1  }
0xbc: {  	v35 =	vor.u32 $0xA, v33;
	_ =	sdelay $0x3  }
0xbd: {  	[tilespmem:s29+$0xFFFFF200] =	vst v34  }
0xbe: {  	v34 =	vld.idx.msk [tilespmem:v35+s14+$0x0], $0xffff;
	_ =	sdelay $0x1  }
0xbf: {  	v35 =	vor.u32 $0xB, v33;
	_ =	sdelay $0x3  }
0xc0: {  	[tilespmem:s29+$0xFFFFF400] =	vst v34  }
0xc1: {  	v34 =	vld.idx.msk [tilespmem:v35+s14+$0x0], $0xffff;
	_ =	sdelay $0x1  }
0xc2: {  	v35 =	vor.u32 $0xC, v33;
	_ =	sdelay $0x3  }
0xc3: {  	[tilespmem:s29+$0xFFFFF600] =	vst v34  }
0xc4: {  	v34 =	vld.idx.msk [tilespmem:v35+s14+$0x0], $0xffff;
	_ =	sdelay $0x1  }
0xc5: {  	v35 =	vor.u32 $0xD, v33;
	_ =	sdelay $0x3  }
0xc6: {  	[tilespmem:s29+$0xFFFFF800] =	vst v34  }
0xc7: {  	v34 =	vld.idx.msk [tilespmem:v35+s14+$0x0], $0xffff;
	_ =	sdelay $0x1  }
0xc8: {  	v35 =	vor.u32 $0xE, v33;
	_ =	sdelay $0x3  }
0xc9: {  	[tilespmem:s29+$0xFFFFFA00] =	vst v34  }
0xca: {  	v34 =	vld.idx.msk [tilespmem:v35+s14+$0x0], $0xffff;
	_ =	sdelay $0x1  }
0xcb: {  	v35 =	vor.u32 $0xF, v33;
	_ =	sdelay $0x3  }
0xcc: {  	[tilespmem:s29+$0xFFFFFC00] =	vst v34  }
0xcd: {  	v34 =	vld.idx.msk [tilespmem:v35+s14+$0x0], $0xffff;
	_ =	sdelay $0x1  }
0xce: {  	v35 =	vor.u32 $0x10, v33;
	_ =	sdelay $0x3  }
0xcf: {  	[tilespmem:s29+$0xFFFFFE00] =	vst v34  }
0xd0: {  	v34 =	vld.idx.msk [tilespmem:v35+s14+$0x0], $0xffff;
	_ =	sdelay $0x1  }
0xd1: {  	v35 =	vor.u32 $0x11, v33;
	_ =	sdelay $0x3  }
0xd2: {  	[tilespmem:s29+$0x0] =	vst v34  }
0xd3: {  	v34 =	vld.idx.msk [tilespmem:v35+s14+$0x0], $0xffff;
	_ =	sdelay $0x1  }
0xd4: {  	v35 =	vor.u32 $0x12, v33;
	_ =	sdelay $0x3  }
0xd5: {  	[tilespmem:s29+$0x200] =	vst v34  }
0xd6: {  	v34 =	vld.idx.msk [tilespmem:v35+s14+$0x0], $0xffff;
	_ =	sdelay $0x1  }
0xd7: {  	v35 =	vor.u32 $0x13, v33;
	_ =	sdelay $0x3  }
0xd8: {  	[tilespmem:s29+$0x400] =	vst v34  }
0xd9: {  	v34 =	vld.idx.msk [tilespmem:v35+s14+$0x0], $0xffff;
	_ =	sdelay $0x1  }
0xda: {  	v35 =	vor.u32 $0x14, v33;
	_ =	sdelay $0x3  }
0xdb: {  	[tilespmem:s29+$0x600] =	vst v34  }
0xdc: {  	v34 =	vld.idx.msk [tilespmem:v35+s14+$0x0], $0xffff;
	_ =	sdelay $0x1  }
0xdd: {  	v35 =	vor.u32 $0x15, v33;
	_ =	sdelay $0x3  }
0xde: {  	[tilespmem:s29+$0x800] =	vst v34  }
0xdf: {  	v34 =	vld.idx.msk [tilespmem:v35+s14+$0x0], $0xffff;
	_ =	sdelay $0x1  }
0xe0: {  	v35 =	vor.u32 $0x16, v33;
	_ =	sdelay $0x3  }
0xe1: {  	[tilespmem:s29+$0xA00] =	vst v34  }
0xe2: {  	v34 =	vld.idx.msk [tilespmem:v35+s14+$0x0], $0xffff;
	_ =	sdelay $0x1  }
0xe3: {  	v35 =	vor.u32 $0x17, v33;
	_ =	sdelay $0x3  }
0xe4: {  	[tilespmem:s29+$0xC00] =	vst v34  }
0xe5: {  	v34 =	vld.idx.msk [tilespmem:v35+s14+$0x0], $0xffff;
	_ =	sdelay $0x1  }
0xe6: {  	v35 =	vor.u32 $0x18, v33;
	_ =	sdelay $0x3  }
0xe7: {  	[tilespmem:s29+$0xE00] =	vst v34  }
0xe8: {  	v34 =	vld.idx.msk [tilespmem:v35+s14+$0x0], $0xffff;
	_ =	sdelay $0x1  }
0xe9: {  	v35 =	vor.u32 $0x19, v33;
	_ =	sdelay $0x3  }
0xea: {  	[tilespmem:s29+$0x1000] =	vst v34  }
0xeb: {  	v34 =	vld.idx.msk [tilespmem:v35+s14+$0x0], $0xffff;
	_ =	sdelay $0x1  }
0xec: {  	v35 =	vor.u32 $0x1A, v33;
	_ =	sdelay $0x3  }
0xed: {  	[tilespmem:s29+$0x1200] =	vst v34  }
0xee: {  	v34 =	vld.idx.msk [tilespmem:v35+s14+$0x0], $0xffff;
	_ =	sdelay $0x1  }
0xef: {  	v35 =	vor.u32 $0x1B, v33;
	_ =	sdelay $0x3  }
0xf0: {  	[tilespmem:s29+$0x1400] =	vst v34  }
0xf1: {  	v34 =	vld.idx.msk [tilespmem:v35+s14+$0x0], $0xffff;
	_ =	sdelay $0x1  }
0xf2: {  	v35 =	vor.u32 $0x1C, v33;
	_ =	sdelay $0x3  }
0xf3: {  	[tilespmem:s29+$0x1600] =	vst v34  }
0xf4: {  	v34 =	vld.idx.msk [tilespmem:v35+s14+$0x0], $0xffff;
	_ =	sdelay $0x1  }
0xf5: {  	v35 =	vor.u32 $0x1D, v33;
	_ =	sdelay $0x3  }
0xf6: {  	[tilespmem:s29+$0x1800] =	vst v34  }
0xf7: {  	v34 =	vld.idx.msk [tilespmem:v35+s14+$0x0], $0xffff;
	_ =	sdelay $0x1  }
0xf8: {  	v35 =	vor.u32 $0x1E, v33;
	_ =	sdelay $0x3  }
0xf9: {  	[tilespmem:s29+$0x1A00] =	vst v34  }
0xfa: {  	v34 =	vld.idx.msk [tilespmem:v35+s14+$0x0], $0xffff;
	_ =	sdelay $0x1  }
0xfb: {  	v35 =	vor.u32 $0x1F, v33  }
.Ltmp0:
0xfc: {  	(pc) =	sbr.rel @p0 .LBB2_3-.Ltmp0, $3  }
0xfd: {  	_ =	sdelay $0x1  }
0xfe: {  	[tilespmem:s29+$0x1C00] =	vst v34  }
0xff: {  	v33 =	vmov s30;
	s30 =	sadd.s32 $0x10, s30;
	v34 =	vld.idx.msk [tilespmem:v35+s14+$0x0], $0xffff  }
0x100: {  	v33 =	vshll.u32 v33, $0x5  }
0x101: {  	v33 =	vor.u32 v0, v33;
	_ =	sdelay $0x3  }
0x102: {  	[tilespmem:s29+$0x1E00] =	vst v34  }
0x103: {  	v34 =	vld.idx.msk [tilespmem:v33+s14+$0x0], $0xffff  }
0x104: {  	v35 =	vor.u32 $0x1, v33;
	_ =	sdelay $0x2  }
0x105: {  	s29 =	sadd.s32 $0x10, s29  }
0x106: {  	[tilespmem:s29+$0xFFFFE000] =	vst v34  }
0x107: {  	v34 =	vld.idx.msk [tilespmem:v35+s14+$0x0], $0xffff  }
0x108: {  	v63 =	vor.u32 $0x2, v33;
	_ =	sdelay $0x3  }
0x109: {  	[tilespmem:s29+$0xFFFFE200] =	vst v34  }
0x10a: {  	v34 =	vld.idx.msk [tilespmem:v63+s14+$0x0], $0xffff  }
0x10b: {  	v36 =	vor.u32 $0x3, v33;
	_ =	sdelay $0x3  }
0x10c: {  	[tilespmem:s29+$0xFFFFE400] =	vst v34  }
0x10d: {  	v34 =	vld.idx.msk [tilespmem:v36+s14+$0x0], $0xffff  }
0x10e: {  	v37 =	vor.u32 $0x4, v33;
	_ =	sdelay $0x3  }
0x10f: {  	[tilespmem:s29+$0xFFFFE600] =	vst v34  }
0x110: {  	v34 =	vld.idx.msk [tilespmem:v37+s14+$0x0], $0xffff  }
0x111: {  	v38 =	vor.u32 $0x5, v33;
	_ =	sdelay $0x3  }
0x112: {  	[tilespmem:s29+$0xFFFFE800] =	vst v34  }
0x113: {  	v34 =	vld.idx.msk [tilespmem:v38+s14+$0x0], $0xffff  }
0x114: {  	v39 =	vor.u32 $0x6, v33;
	_ =	sdelay $0x3  }
0x115: {  	[tilespmem:s29+$0xFFFFEA00] =	vst v34  }
0x116: {  	v34 =	vld.idx.msk [tilespmem:v39+s14+$0x0], $0xffff  }
0x117: {  	v40 =	vor.u32 $0x7, v33;
	_ =	sdelay $0x3  }
0x118: {  	[tilespmem:s29+$0xFFFFEC00] =	vst v34  }
0x119: {  	v34 =	vld.idx.msk [tilespmem:v40+s14+$0x0], $0xffff  }
0x11a: {  	v41 =	vor.u32 $0x8, v33;
	_ =	sdelay $0x3  }
0x11b: {  	[tilespmem:s29+$0xFFFFEE00] =	vst v34  }
0x11c: {  	v34 =	vld.idx.msk [tilespmem:v41+s14+$0x0], $0xffff  }
0x11d: {  	v42 =	vor.u32 $0x9, v33;
	_ =	sdelay $0x3  }
0x11e: {  	[tilespmem:s29+$0xFFFFF000] =	vst v34  }
0x11f: {  	v34 =	vld.idx.msk [tilespmem:v42+s14+$0x0], $0xffff  }
0x120: {  	v43 =	vor.u32 $0xA, v33;
	_ =	sdelay $0x3  }
0x121: {  	[tilespmem:s29+$0xFFFFF200] =	vst v34  }
0x122: {  	v34 =	vld.idx.msk [tilespmem:v43+s14+$0x0], $0xffff  }
0x123: {  	v44 =	vor.u32 $0xB, v33;
	_ =	sdelay $0x3  }
0x124: {  	[tilespmem:s29+$0xFFFFF400] =	vst v34  }
0x125: {  	v34 =	vld.idx.msk [tilespmem:v44+s14+$0x0], $0xffff  }
0x126: {  	v45 =	vor.u32 $0xC, v33;
	_ =	sdelay $0x3  }
0x127: {  	[tilespmem:s29+$0xFFFFF600] =	vst v34  }
0x128: {  	v34 =	vld.idx.msk [tilespmem:v45+s14+$0x0], $0xffff  }
0x129: {  	v46 =	vor.u32 $0xD, v33;
	_ =	sdelay $0x3  }
0x12a: {  	[tilespmem:s29+$0xFFFFF800] =	vst v34  }
0x12b: {  	v34 =	vld.idx.msk [tilespmem:v46+s14+$0x0], $0xffff  }
0x12c: {  	v47 =	vor.u32 $0xE, v33;
	_ =	sdelay $0x3  }
0x12d: {  	[tilespmem:s29+$0xFFFFFA00] =	vst v34  }
0x12e: {  	v34 =	vld.idx.msk [tilespmem:v47+s14+$0x0], $0xffff  }
0x12f: {  	v48 =	vor.u32 $0xF, v33;
	_ =	sdelay $0x3  }
0x130: {  	[tilespmem:s29+$0xFFFFFC00] =	vst v34  }
0x131: {  	v34 =	vld.idx.msk [tilespmem:v48+s14+$0x0], $0xffff  }
0x132: {  	v49 =	vor.u32 $0x10, v33;
	_ =	sdelay $0x3  }
0x133: {  	[tilespmem:s29+$0xFFFFFE00] =	vst v34  }
0x134: {  	v34 =	vld.idx.msk [tilespmem:v49+s14+$0x0], $0xffff  }
0x135: {  	v50 =	vor.u32 $0x11, v33;
	_ =	sdelay $0x3  }
0x136: {  	[tilespmem:s29+$0x0] =	vst v34  }
0x137: {  	v34 =	vld.idx.msk [tilespmem:v50+s14+$0x0], $0xffff  }
0x138: {  	v51 =	vor.u32 $0x12, v33;
	_ =	sdelay $0x3  }
0x139: {  	[tilespmem:s29+$0x200] =	vst v34  }
0x13a: {  	v34 =	vld.idx.msk [tilespmem:v51+s14+$0x0], $0xffff  }
0x13b: {  	v52 =	vor.u32 $0x13, v33;
	_ =	sdelay $0x3  }
0x13c: {  	[tilespmem:s29+$0x400] =	vst v34  }
0x13d: {  	v34 =	vld.idx.msk [tilespmem:v52+s14+$0x0], $0xffff  }
0x13e: {  	v53 =	vor.u32 $0x14, v33;
	_ =	sdelay $0x3  }
0x13f: {  	[tilespmem:s29+$0x600] =	vst v34  }
0x140: {  	v34 =	vld.idx.msk [tilespmem:v53+s14+$0x0], $0xffff  }
0x141: {  	v54 =	vor.u32 $0x15, v33;
	_ =	sdelay $0x3  }
0x142: {  	[tilespmem:s29+$0x800] =	vst v34  }
0x143: {  	v34 =	vld.idx.msk [tilespmem:v54+s14+$0x0], $0xffff  }
0x144: {  	v55 =	vor.u32 $0x16, v33;
	_ =	sdelay $0x3  }
0x145: {  	[tilespmem:s29+$0xA00] =	vst v34  }
0x146: {  	v34 =	vld.idx.msk [tilespmem:v55+s14+$0x0], $0xffff  }
0x147: {  	v56 =	vor.u32 $0x17, v33;
	_ =	sdelay $0x3  }
0x148: {  	[tilespmem:s29+$0xC00] =	vst v34  }
0x149: {  	v34 =	vld.idx.msk [tilespmem:v56+s14+$0x0], $0xffff  }
0x14a: {  	v57 =	vor.u32 $0x18, v33;
	_ =	sdelay $0x3  }
0x14b: {  	[tilespmem:s29+$0xE00] =	vst v34  }
0x14c: {  	v34 =	vld.idx.msk [tilespmem:v57+s14+$0x0], $0xffff  }
0x14d: {  	v58 =	vor.u32 $0x19, v33;
	_ =	sdelay $0x3  }
0x14e: {  	[tilespmem:s29+$0x1000] =	vst v34  }
0x14f: {  	v34 =	vld.idx.msk [tilespmem:v58+s14+$0x0], $0xffff  }
0x150: {  	v59 =	vor.u32 $0x1A, v33;
	_ =	sdelay $0x3  }
0x151: {  	[tilespmem:s29+$0x1200] =	vst v34  }
0x152: {  	v34 =	vld.idx.msk [tilespmem:v59+s14+$0x0], $0xffff  }
0x153: {  	v60 =	vor.u32 $0x1B, v33;
	_ =	sdelay $0x3  }
0x154: {  	[tilespmem:s29+$0x1400] =	vst v34  }
0x155: {  	v34 =	vld.idx.msk [tilespmem:v60+s14+$0x0], $0xffff  }
0x156: {  	v61 =	vor.u32 $0x1C, v33;
	_ =	sdelay $0x3  }
0x157: {  	[tilespmem:s29+$0x1600] =	vst v34  }
0x158: {  	v34 =	vld.idx.msk [tilespmem:v61+s14+$0x0], $0xffff  }
0x159: {  	v62 =	vor.u32 $0x1D, v33;
	_ =	sdelay $0x3  }
0x15a: {  	[tilespmem:s29+$0x1800] =	vst v34  }
0x15b: {  	v34 =	vld.idx.msk [tilespmem:v62+s14+$0x0], $0xffff  }
0x15c: {  	v63 =	vor.u32 $0x1E, v33;
	_ =	sdelay $0x3  }
0x15d: {  	[tilespmem:s29+$0x1A00] =	vst v34  }
0x15e: {  	v34 =	vld.idx.msk [tilespmem:v63+s14+$0x0], $0xffff  }
0x15f: {  	v33 =	vor.u32 $0x1F, v33;
	_ =	sdelay $0x3  }
0x160: {  	[tilespmem:s29+$0x1C00] =	vst v34  }
0x161: {  	v33 =	vld.idx.msk [tilespmem:v33+s14+$0x0], $0xffff;
	_ =	sdelay $0x4  }
0x162: {  	[tilespmem:s29+$0x1E00] =	vst v33  }
0x163: {  	v1 =	vld.idx.msk [tilespmem:v1+s15+$0x0], $0xffff;
	_ =	sdelay $0x3  }
0x164: {  	s29 =	simm.s32 $0x14400  }
0x165: {  	[tilespmem:s29+$0xFFFFE000] =	vst v1  }
0x166: {  	v1 =	vld.idx.msk [tilespmem:v2+s15+$0x0], $0xffff;
	_ =	sdelay $0x4  }
0x167: {  	[tilespmem:s29+$0xFFFFE200] =	vst v1  }
0x168: {  	v1 =	vld.idx.msk [tilespmem:v3+s15+$0x0], $0xffff;
	_ =	sdelay $0x4  }
0x169: {  	[tilespmem:s29+$0xFFFFE400] =	vst v1  }
0x16a: {  	v1 =	vld.idx.msk [tilespmem:v4+s15+$0x0], $0xffff;
	_ =	sdelay $0x4  }
0x16b: {  	[tilespmem:s29+$0xFFFFE600] =	vst v1  }
0x16c: {  	v1 =	vld.idx.msk [tilespmem:v5+s15+$0x0], $0xffff;
	_ =	sdelay $0x4  }
0x16d: {  	[tilespmem:s29+$0xFFFFE800] =	vst v1  }
0x16e: {  	v1 =	vld.idx.msk [tilespmem:v6+s15+$0x0], $0xffff;
	_ =	sdelay $0x4  }
0x16f: {  	[tilespmem:s29+$0xFFFFEA00] =	vst v1  }
0x170: {  	v1 =	vld.idx.msk [tilespmem:v7+s15+$0x0], $0xffff;
	_ =	sdelay $0x4  }
0x171: {  	[tilespmem:s29+$0xFFFFEC00] =	vst v1  }
0x172: {  	v1 =	vld.idx.msk [tilespmem:v8+s15+$0x0], $0xffff;
	_ =	sdelay $0x4  }
0x173: {  	[tilespmem:s29+$0xFFFFEE00] =	vst v1  }
0x174: {  	v1 =	vld.idx.msk [tilespmem:v9+s15+$0x0], $0xffff;
	_ =	sdelay $0x4  }
0x175: {  	[tilespmem:s29+$0xFFFFF000] =	vst v1  }
0x176: {  	v1 =	vld.idx.msk [tilespmem:v10+s15+$0x0], $0xffff;
	_ =	sdelay $0x4  }
0x177: {  	[tilespmem:s29+$0xFFFFF200] =	vst v1  }
0x178: {  	v1 =	vld.idx.msk [tilespmem:v11+s15+$0x0], $0xffff;
	_ =	sdelay $0x4  }
0x179: {  	[tilespmem:s29+$0xFFFFF400] =	vst v1  }
0x17a: {  	v1 =	vld.idx.msk [tilespmem:v12+s15+$0x0], $0xffff;
	_ =	sdelay $0x4  }
0x17b: {  	[tilespmem:s29+$0xFFFFF600] =	vst v1  }
0x17c: {  	v1 =	vld.idx.msk [tilespmem:v13+s15+$0x0], $0xffff;
	_ =	sdelay $0x4  }
0x17d: {  	[tilespmem:s29+$0xFFFFF800] =	vst v1  }
0x17e: {  	v1 =	vld.idx.msk [tilespmem:v14+s15+$0x0], $0xffff;
	_ =	sdelay $0x4  }
0x17f: {  	[tilespmem:s29+$0xFFFFFA00] =	vst v1  }
0x180: {  	v1 =	vld.idx.msk [tilespmem:v15+s15+$0x0], $0xffff;
	_ =	sdelay $0x4  }
0x181: {  	[tilespmem:s29+$0xFFFFFC00] =	vst v1  }
0x182: {  	v1 =	vld.idx.msk [tilespmem:v16+s15+$0x0], $0xffff;
	_ =	sdelay $0x4  }
0x183: {  	[tilespmem:s29+$0xFFFFFE00] =	vst v1  }
0x184: {  	v1 =	vld.idx.msk [tilespmem:v17+s15+$0x0], $0xffff;
	_ =	sdelay $0x4  }
0x185: {  	[tilespmem:s29+$0x0] =	vst v1  }
0x186: {  	v1 =	vld.idx.msk [tilespmem:v18+s15+$0x0], $0xffff;
	_ =	sdelay $0x4  }
0x187: {  	[tilespmem:s29+$0x200] =	vst v1  }
0x188: {  	v1 =	vld.idx.msk [tilespmem:v19+s15+$0x0], $0xffff;
	_ =	sdelay $0x4  }
0x189: {  	[tilespmem:s29+$0x400] =	vst v1  }
0x18a: {  	v1 =	vld.idx.msk [tilespmem:v20+s15+$0x0], $0xffff;
	_ =	sdelay $0x4  }
0x18b: {  	[tilespmem:s29+$0x600] =	vst v1  }
0x18c: {  	v1 =	vld.idx.msk [tilespmem:v21+s15+$0x0], $0xffff;
	_ =	sdelay $0x4  }
0x18d: {  	[tilespmem:s29+$0x800] =	vst v1  }
0x18e: {  	v1 =	vld.idx.msk [tilespmem:v22+s15+$0x0], $0xffff;
	_ =	sdelay $0x4  }
0x18f: {  	[tilespmem:s29+$0xA00] =	vst v1  }
0x190: {  	v1 =	vld.idx.msk [tilespmem:v23+s15+$0x0], $0xffff;
	_ =	sdelay $0x4  }
0x191: {  	[tilespmem:s29+$0xC00] =	vst v1  }
0x192: {  	v1 =	vld.idx.msk [tilespmem:v24+s15+$0x0], $0xffff;
	_ =	sdelay $0x4  }
0x193: {  	[tilespmem:s29+$0xE00] =	vst v1  }
0x194: {  	v1 =	vld.idx.msk [tilespmem:v25+s15+$0x0], $0xffff;
	_ =	sdelay $0x4  }
0x195: {  	[tilespmem:s29+$0x1000] =	vst v1  }
0x196: {  	v1 =	vld.idx.msk [tilespmem:v26+s15+$0x0], $0xffff;
	_ =	sdelay $0x4  }
0x197: {  	[tilespmem:s29+$0x1200] =	vst v1  }
0x198: {  	v1 =	vld.idx.msk [tilespmem:v27+s15+$0x0], $0xffff;
	_ =	sdelay $0x4  }
0x199: {  	[tilespmem:s29+$0x1400] =	vst v1  }
0x19a: {  	v1 =	vld.idx.msk [tilespmem:v28+s15+$0x0], $0xffff;
	_ =	sdelay $0x4  }
0x19b: {  	[tilespmem:s29+$0x1600] =	vst v1  }
0x19c: {  	v1 =	vld.idx.msk [tilespmem:v29+s15+$0x0], $0xffff;
	_ =	sdelay $0x4  }
0x19d: {  	[tilespmem:s29+$0x1800] =	vst v1  }
0x19e: {  	v1 =	vld.idx.msk [tilespmem:v30+s15+$0x0], $0xffff;
	_ =	sdelay $0x4  }
0x19f: {  	[tilespmem:s29+$0x1A00] =	vst v1  }
0x1a0: {  	v1 =	vld.idx.msk [tilespmem:v32+s15+$0x0], $0xffff;
	_ =	sdelay $0x4  }
0x1a1: {  	[tilespmem:s29+$0x1C00] =	vst v1  }
0x1a2: {  	v1 =	vmov s28;
	s28 =	simm.s32 $0x20;
	v2 =	vld.idx.msk [tilespmem:v31+s15+$0x0], $0xffff  }
.LBB2_5:
0x1a3: {  	p0 =	sne.s32 s28, $0x1F0;
	v1 =	vshll.u32 v1, $0x5  }
0x1a4: {  	v1 =	vor.u32 v0, v1;
	_ =	sdelay $0x3  }
0x1a5: {  	[tilespmem:s29+$0x1E00] =	vst v2  }
0x1a6: {  	v2 =	vld.idx.msk [tilespmem:v1+s15+$0x0], $0xffff;
	_ =	sdelay $0x1  }
0x1a7: {  	v3 =	vor.u32 $0x1, v1;
	_ =	sdelay $0x2  }
0x1a8: {  	s29 =	sadd.s32 $0x10, s29  }
0x1a9: {  	[tilespmem:s29+$0xFFFFE000] =	vst v2  }
0x1aa: {  	v2 =	vld.idx.msk [tilespmem:v3+s15+$0x0], $0xffff;
	_ =	sdelay $0x1  }
0x1ab: {  	v3 =	vor.u32 $0x2, v1;
	_ =	sdelay $0x3  }
0x1ac: {  	[tilespmem:s29+$0xFFFFE200] =	vst v2  }
0x1ad: {  	v2 =	vld.idx.msk [tilespmem:v3+s15+$0x0], $0xffff;
	_ =	sdelay $0x1  }
0x1ae: {  	v3 =	vor.u32 $0x3, v1;
	_ =	sdelay $0x3  }
0x1af: {  	[tilespmem:s29+$0xFFFFE400] =	vst v2  }
0x1b0: {  	v2 =	vld.idx.msk [tilespmem:v3+s15+$0x0], $0xffff;
	_ =	sdelay $0x1  }
0x1b1: {  	v3 =	vor.u32 $0x4, v1;
	_ =	sdelay $0x3  }
0x1b2: {  	[tilespmem:s29+$0xFFFFE600] =	vst v2  }
0x1b3: {  	v2 =	vld.idx.msk [tilespmem:v3+s15+$0x0], $0xffff;
	_ =	sdelay $0x1  }
0x1b4: {  	v3 =	vor.u32 $0x5, v1;
	_ =	sdelay $0x3  }
0x1b5: {  	[tilespmem:s29+$0xFFFFE800] =	vst v2  }
0x1b6: {  	v2 =	vld.idx.msk [tilespmem:v3+s15+$0x0], $0xffff;
	_ =	sdelay $0x1  }
0x1b7: {  	v3 =	vor.u32 $0x6, v1;
	_ =	sdelay $0x3  }
0x1b8: {  	[tilespmem:s29+$0xFFFFEA00] =	vst v2  }
0x1b9: {  	v2 =	vld.idx.msk [tilespmem:v3+s15+$0x0], $0xffff;
	_ =	sdelay $0x1  }
0x1ba: {  	v3 =	vor.u32 $0x7, v1;
	_ =	sdelay $0x3  }
0x1bb: {  	[tilespmem:s29+$0xFFFFEC00] =	vst v2  }
0x1bc: {  	v2 =	vld.idx.msk [tilespmem:v3+s15+$0x0], $0xffff;
	_ =	sdelay $0x1  }
0x1bd: {  	v3 =	vor.u32 $0x8, v1;
	_ =	sdelay $0x3  }
0x1be: {  	[tilespmem:s29+$0xFFFFEE00] =	vst v2  }
0x1bf: {  	v2 =	vld.idx.msk [tilespmem:v3+s15+$0x0], $0xffff;
	_ =	sdelay $0x1  }
0x1c0: {  	v3 =	vor.u32 $0x9, v1;
	_ =	sdelay $0x3  }
0x1c1: {  	[tilespmem:s29+$0xFFFFF000] =	vst v2  }
0x1c2: {  	v2 =	vld.idx.msk [tilespmem:v3+s15+$0x0], $0xffff;
	_ =	sdelay $0x1  }
0x1c3: {  	v3 =	vor.u32 $0xA, v1;
	_ =	sdelay $0x3  }
0x1c4: {  	[tilespmem:s29+$0xFFFFF200] =	vst v2  }
0x1c5: {  	v2 =	vld.idx.msk [tilespmem:v3+s15+$0x0], $0xffff;
	_ =	sdelay $0x1  }
0x1c6: {  	v3 =	vor.u32 $0xB, v1;
	_ =	sdelay $0x3  }
0x1c7: {  	[tilespmem:s29+$0xFFFFF400] =	vst v2  }
0x1c8: {  	v2 =	vld.idx.msk [tilespmem:v3+s15+$0x0], $0xffff;
	_ =	sdelay $0x1  }
0x1c9: {  	v3 =	vor.u32 $0xC, v1;
	_ =	sdelay $0x3  }
0x1ca: {  	[tilespmem:s29+$0xFFFFF600] =	vst v2  }
0x1cb: {  	v2 =	vld.idx.msk [tilespmem:v3+s15+$0x0], $0xffff;
	_ =	sdelay $0x1  }
0x1cc: {  	v3 =	vor.u32 $0xD, v1;
	_ =	sdelay $0x3  }
0x1cd: {  	[tilespmem:s29+$0xFFFFF800] =	vst v2  }
0x1ce: {  	v2 =	vld.idx.msk [tilespmem:v3+s15+$0x0], $0xffff;
	_ =	sdelay $0x1  }
0x1cf: {  	v3 =	vor.u32 $0xE, v1;
	_ =	sdelay $0x3  }
0x1d0: {  	[tilespmem:s29+$0xFFFFFA00] =	vst v2  }
0x1d1: {  	v2 =	vld.idx.msk [tilespmem:v3+s15+$0x0], $0xffff;
	_ =	sdelay $0x1  }
0x1d2: {  	v3 =	vor.u32 $0xF, v1;
	_ =	sdelay $0x3  }
0x1d3: {  	[tilespmem:s29+$0xFFFFFC00] =	vst v2  }
0x1d4: {  	v2 =	vld.idx.msk [tilespmem:v3+s15+$0x0], $0xffff;
	_ =	sdelay $0x1  }
0x1d5: {  	v3 =	vor.u32 $0x10, v1;
	_ =	sdelay $0x3  }
0x1d6: {  	[tilespmem:s29+$0xFFFFFE00] =	vst v2  }
0x1d7: {  	v2 =	vld.idx.msk [tilespmem:v3+s15+$0x0], $0xffff;
	_ =	sdelay $0x1  }
0x1d8: {  	v3 =	vor.u32 $0x11, v1;
	_ =	sdelay $0x3  }
0x1d9: {  	[tilespmem:s29+$0x0] =	vst v2  }
0x1da: {  	v2 =	vld.idx.msk [tilespmem:v3+s15+$0x0], $0xffff;
	_ =	sdelay $0x1  }
0x1db: {  	v3 =	vor.u32 $0x12, v1;
	_ =	sdelay $0x3  }
0x1dc: {  	[tilespmem:s29+$0x200] =	vst v2  }
0x1dd: {  	v2 =	vld.idx.msk [tilespmem:v3+s15+$0x0], $0xffff;
	_ =	sdelay $0x1  }
0x1de: {  	v3 =	vor.u32 $0x13, v1;
	_ =	sdelay $0x3  }
0x1df: {  	[tilespmem:s29+$0x400] =	vst v2  }
0x1e0: {  	v2 =	vld.idx.msk [tilespmem:v3+s15+$0x0], $0xffff;
	_ =	sdelay $0x1  }
0x1e1: {  	v3 =	vor.u32 $0x14, v1;
	_ =	sdelay $0x3  }
0x1e2: {  	[tilespmem:s29+$0x600] =	vst v2  }
0x1e3: {  	v2 =	vld.idx.msk [tilespmem:v3+s15+$0x0], $0xffff;
	_ =	sdelay $0x1  }
0x1e4: {  	v3 =	vor.u32 $0x15, v1;
	_ =	sdelay $0x3  }
0x1e5: {  	[tilespmem:s29+$0x800] =	vst v2  }
0x1e6: {  	v2 =	vld.idx.msk [tilespmem:v3+s15+$0x0], $0xffff;
	_ =	sdelay $0x1  }
0x1e7: {  	v3 =	vor.u32 $0x16, v1;
	_ =	sdelay $0x3  }
0x1e8: {  	[tilespmem:s29+$0xA00] =	vst v2  }
0x1e9: {  	v2 =	vld.idx.msk [tilespmem:v3+s15+$0x0], $0xffff;
	_ =	sdelay $0x1  }
0x1ea: {  	v3 =	vor.u32 $0x17, v1;
	_ =	sdelay $0x3  }
0x1eb: {  	[tilespmem:s29+$0xC00] =	vst v2  }
0x1ec: {  	v2 =	vld.idx.msk [tilespmem:v3+s15+$0x0], $0xffff;
	_ =	sdelay $0x1  }
0x1ed: {  	v3 =	vor.u32 $0x18, v1;
	_ =	sdelay $0x3  }
0x1ee: {  	[tilespmem:s29+$0xE00] =	vst v2  }
0x1ef: {  	v2 =	vld.idx.msk [tilespmem:v3+s15+$0x0], $0xffff;
	_ =	sdelay $0x1  }
0x1f0: {  	v3 =	vor.u32 $0x19, v1;
	_ =	sdelay $0x3  }
0x1f1: {  	[tilespmem:s29+$0x1000] =	vst v2  }
0x1f2: {  	v2 =	vld.idx.msk [tilespmem:v3+s15+$0x0], $0xffff;
	_ =	sdelay $0x1  }
0x1f3: {  	v3 =	vor.u32 $0x1A, v1;
	_ =	sdelay $0x3  }
0x1f4: {  	[tilespmem:s29+$0x1200] =	vst v2  }
0x1f5: {  	v2 =	vld.idx.msk [tilespmem:v3+s15+$0x0], $0xffff;
	_ =	sdelay $0x1  }
0x1f6: {  	v3 =	vor.u32 $0x1B, v1;
	_ =	sdelay $0x3  }
0x1f7: {  	[tilespmem:s29+$0x1400] =	vst v2  }
0x1f8: {  	v2 =	vld.idx.msk [tilespmem:v3+s15+$0x0], $0xffff;
	_ =	sdelay $0x1  }
0x1f9: {  	v3 =	vor.u32 $0x1C, v1;
	_ =	sdelay $0x3  }
0x1fa: {  	[tilespmem:s29+$0x1600] =	vst v2  }
0x1fb: {  	v2 =	vld.idx.msk [tilespmem:v3+s15+$0x0], $0xffff;
	_ =	sdelay $0x1  }
0x1fc: {  	v3 =	vor.u32 $0x1D, v1;
	_ =	sdelay $0x3  }
0x1fd: {  	[tilespmem:s29+$0x1800] =	vst v2  }
0x1fe: {  	v2 =	vld.idx.msk [tilespmem:v3+s15+$0x0], $0xffff;
	_ =	sdelay $0x1  }
0x1ff: {  	v3 =	vor.u32 $0x1E, v1;
	_ =	sdelay $0x3  }
0x200: {  	[tilespmem:s29+$0x1A00] =	vst v2  }
0x201: {  	v2 =	vld.idx.msk [tilespmem:v3+s15+$0x0], $0xffff;
	_ =	sdelay $0x1  }
0x202: {  	v3 =	vor.u32 $0x1F, v1  }
.Ltmp1:
0x203: {  	(pc) =	sbr.rel @p0 .LBB2_5-.Ltmp1, $3  }
0x204: {  	_ =	sdelay $0x1  }
0x205: {  	[tilespmem:s29+$0x1C00] =	vst v2  }
0x206: {  	v1 =	vmov s28;
	s28 =	sadd.s32 $0x10, s28;
	v2 =	vld.idx.msk [tilespmem:v3+s15+$0x0], $0xffff  }
0x207: {  	v1 =	vshll.u32 v1, $0x5  }
0x208: {  	v1 =	vor.u32 v0, v1;
	_ =	sdelay $0x3  }
0x209: {  	[tilespmem:s29+$0x1E00] =	vst v2  }
0x20a: {  	v2 =	vld.idx.msk [tilespmem:v1+s15+$0x0], $0xffff  }
0x20b: {  	v3 =	vor.u32 $0x1, v1;
	_ =	sdelay $0x2  }
0x20c: {  	s28 =	sadd.s32 $0x10, s29  }
0x20d: {  	[tilespmem:s28+$0xFFFFE000] =	vst v2  }
0x20e: {  	v2 =	vld.idx.msk [tilespmem:v3+s15+$0x0], $0xffff  }
0x20f: {  	v3 =	vor.u32 $0x2, v1;
	_ =	sdelay $0x3  }
0x210: {  	[tilespmem:s28+$0xFFFFE200] =	vst v2  }
0x211: {  	v2 =	vld.idx.msk [tilespmem:v3+s15+$0x0], $0xffff  }
0x212: {  	v3 =	vor.u32 $0x3, v1;
	_ =	sdelay $0x3  }
0x213: {  	[tilespmem:s28+$0xFFFFE400] =	vst v2  }
0x214: {  	v2 =	vld.idx.msk [tilespmem:v3+s15+$0x0], $0xffff  }
0x215: {  	v3 =	vor.u32 $0x4, v1;
	_ =	sdelay $0x3  }
0x216: {  	[tilespmem:s28+$0xFFFFE600] =	vst v2  }
0x217: {  	v2 =	vld.idx.msk [tilespmem:v3+s15+$0x0], $0xffff  }
0x218: {  	v3 =	vor.u32 $0x5, v1;
	_ =	sdelay $0x3  }
0x219: {  	[tilespmem:s28+$0xFFFFE800] =	vst v2  }
0x21a: {  	v2 =	vld.idx.msk [tilespmem:v3+s15+$0x0], $0xffff  }
0x21b: {  	v3 =	vor.u32 $0x6, v1;
	_ =	sdelay $0x3  }
0x21c: {  	[tilespmem:s28+$0xFFFFEA00] =	vst v2  }
0x21d: {  	v2 =	vld.idx.msk [tilespmem:v3+s15+$0x0], $0xffff  }
0x21e: {  	v3 =	vor.u32 $0x7, v1;
	_ =	sdelay $0x3  }
0x21f: {  	[tilespmem:s28+$0xFFFFEC00] =	vst v2  }
0x220: {  	v2 =	vld.idx.msk [tilespmem:v3+s15+$0x0], $0xffff  }
0x221: {  	v3 =	vor.u32 $0x8, v1;
	_ =	sdelay $0x3  }
0x222: {  	[tilespmem:s28+$0xFFFFEE00] =	vst v2  }
0x223: {  	v2 =	vld.idx.msk [tilespmem:v3+s15+$0x0], $0xffff  }
0x224: {  	v3 =	vor.u32 $0x9, v1;
	_ =	sdelay $0x3  }
0x225: {  	[tilespmem:s28+$0xFFFFF000] =	vst v2  }
0x226: {  	v2 =	vld.idx.msk [tilespmem:v3+s15+$0x0], $0xffff  }
0x227: {  	v3 =	vor.u32 $0xA, v1;
	_ =	sdelay $0x3  }
0x228: {  	[tilespmem:s28+$0xFFFFF200] =	vst v2  }
0x229: {  	v2 =	vld.idx.msk [tilespmem:v3+s15+$0x0], $0xffff  }
0x22a: {  	v3 =	vor.u32 $0xB, v1;
	_ =	sdelay $0x3  }
0x22b: {  	[tilespmem:s28+$0xFFFFF400] =	vst v2  }
0x22c: {  	v2 =	vld.idx.msk [tilespmem:v3+s15+$0x0], $0xffff  }
0x22d: {  	v3 =	vor.u32 $0xC, v1;
	_ =	sdelay $0x3  }
0x22e: {  	[tilespmem:s28+$0xFFFFF600] =	vst v2  }
0x22f: {  	v2 =	vld.idx.msk [tilespmem:v3+s15+$0x0], $0xffff  }
0x230: {  	v3 =	vor.u32 $0xD, v1;
	_ =	sdelay $0x3  }
0x231: {  	[tilespmem:s28+$0xFFFFF800] =	vst v2  }
0x232: {  	v2 =	vld.idx.msk [tilespmem:v3+s15+$0x0], $0xffff  }
0x233: {  	v3 =	vor.u32 $0xE, v1;
	_ =	sdelay $0x3  }
0x234: {  	[tilespmem:s28+$0xFFFFFA00] =	vst v2  }
0x235: {  	v2 =	vld.idx.msk [tilespmem:v3+s15+$0x0], $0xffff  }
0x236: {  	v3 =	vor.u32 $0xF, v1;
	_ =	sdelay $0x3  }
0x237: {  	[tilespmem:s28+$0xFFFFFC00] =	vst v2  }
0x238: {  	v2 =	vld.idx.msk [tilespmem:v3+s15+$0x0], $0xffff  }
0x239: {  	v3 =	vor.u32 $0x10, v1;
	_ =	sdelay $0x3  }
0x23a: {  	[tilespmem:s28+$0xFFFFFE00] =	vst v2  }
0x23b: {  	v2 =	vld.idx.msk [tilespmem:v3+s15+$0x0], $0xffff  }
0x23c: {  	v3 =	vor.u32 $0x11, v1;
	_ =	sdelay $0x3  }
0x23d: {  	[tilespmem:s28+$0x0] =	vst v2  }
0x23e: {  	v2 =	vld.idx.msk [tilespmem:v3+s15+$0x0], $0xffff  }
0x23f: {  	v3 =	vor.u32 $0x12, v1;
	_ =	sdelay $0x3  }
0x240: {  	[tilespmem:s28+$0x200] =	vst v2  }
0x241: {  	v2 =	vld.idx.msk [tilespmem:v3+s15+$0x0], $0xffff  }
0x242: {  	v3 =	vor.u32 $0x13, v1;
	_ =	sdelay $0x3  }
0x243: {  	[tilespmem:s28+$0x400] =	vst v2  }
0x244: {  	v2 =	vld.idx.msk [tilespmem:v3+s15+$0x0], $0xffff  }
0x245: {  	v3 =	vor.u32 $0x14, v1;
	_ =	sdelay $0x3  }
0x246: {  	[tilespmem:s28+$0x600] =	vst v2  }
0x247: {  	v2 =	vld.idx.msk [tilespmem:v3+s15+$0x0], $0xffff  }
0x248: {  	v3 =	vor.u32 $0x15, v1;
	_ =	sdelay $0x3  }
0x249: {  	[tilespmem:s28+$0x800] =	vst v2  }
0x24a: {  	v2 =	vld.idx.msk [tilespmem:v3+s15+$0x0], $0xffff  }
0x24b: {  	v3 =	vor.u32 $0x16, v1;
	_ =	sdelay $0x3  }
0x24c: {  	[tilespmem:s28+$0xA00] =	vst v2  }
0x24d: {  	v2 =	vld.idx.msk [tilespmem:v3+s15+$0x0], $0xffff  }
0x24e: {  	v3 =	vor.u32 $0x17, v1;
	_ =	sdelay $0x3  }
0x24f: {  	[tilespmem:s28+$0xC00] =	vst v2  }
0x250: {  	v2 =	vld.idx.msk [tilespmem:v3+s15+$0x0], $0xffff  }
0x251: {  	v3 =	vor.u32 $0x18, v1;
	_ =	sdelay $0x3  }
0x252: {  	[tilespmem:s28+$0xE00] =	vst v2  }
0x253: {  	v2 =	vld.idx.msk [tilespmem:v3+s15+$0x0], $0xffff  }
0x254: {  	v3 =	vor.u32 $0x19, v1;
	_ =	sdelay $0x3  }
0x255: {  	[tilespmem:s28+$0x1000] =	vst v2  }
0x256: {  	v2 =	vld.idx.msk [tilespmem:v3+s15+$0x0], $0xffff  }
0x257: {  	v3 =	vor.u32 $0x1A, v1;
	_ =	sdelay $0x3  }
0x258: {  	[tilespmem:s28+$0x1200] =	vst v2  }
0x259: {  	v2 =	vld.idx.msk [tilespmem:v3+s15+$0x0], $0xffff  }
0x25a: {  	v3 =	vor.u32 $0x1B, v1;
	_ =	sdelay $0x3  }
0x25b: {  	[tilespmem:s28+$0x1400] =	vst v2  }
0x25c: {  	v2 =	vld.idx.msk [tilespmem:v3+s15+$0x0], $0xffff  }
0x25d: {  	v3 =	vor.u32 $0x1C, v1;
	_ =	sdelay $0x3  }
0x25e: {  	[tilespmem:s28+$0x1600] =	vst v2  }
0x25f: {  	v2 =	vld.idx.msk [tilespmem:v3+s15+$0x0], $0xffff  }
0x260: {  	v3 =	vor.u32 $0x1D, v1;
	_ =	sdelay $0x3  }
0x261: {  	[tilespmem:s28+$0x1800] =	vst v2  }
0x262: {  	v2 =	vld.idx.msk [tilespmem:v3+s15+$0x0], $0xffff  }
0x263: {  	v3 =	vor.u32 $0x1E, v1;
	_ =	sdelay $0x3  }
0x264: {  	[tilespmem:s28+$0x1A00] =	vst v2  }
0x265: {  	v2 =	vld.idx.msk [tilespmem:v3+s15+$0x0], $0xffff  }
0x266: {  	v1 =	vor.u32 $0x1F, v1;
	_ =	sdelay $0x3  }
0x267: {  	[tilespmem:s28+$0x1C00] =	vst v2  }
0x268: {  	v1 =	vld.idx.msk [tilespmem:v1+s15+$0x0], $0xffff;
	_ =	sdelay $0x1  }
0x269: {  	s31 =	sshll.u32 s26, $0x13  }
0x26a: {  	s29 =	sor.u32 s6, s31  }
0x26b: {  	s29 =	sshrl.u32 s29, $0x3  }
0x26c: {  	s30 =	sadd.s32 s7, s29;
	[tilespmem:s28+$0x1E00] =	vst v1  }
0x26d: {  	[hbm4b:s30+s10] =	stream.strided.scatter [tilespmem:s23], [sflag:$0x2], $0x4000, s11, s10, $0x38;
	[tilespmem:$0x16400] =	vst v63  }
0x26e: {  	s26 =	sadd.s32 $0x1, s26;
	_ =	swait.ge [sflag:s12], $0x4000  }
0x26f: {  	p0 =	sne.s32 s26, $0x32;
	[sflag:s12] =	ssyncset.done $0x0  }
.Ltmp2:
0x270: {  	s31 =	sadd.s32 s1, s29;
	[sflag:s12] =	ssyncadd.s32 $0xFFFFC000;
	(pc) =	sbr.rel @p0 .LBB2_2-.Ltmp2, $4  }
0x271: {  	[hbm4b:s31+s10] =	stream.strided.scatter [tilespmem:s24], [sflag:$0x2], $0x4000, s11, s10, $0x38;
	[tilespmem:$0x16400] =	vst v63  }
0x272: {  	_ =	swait.ge [sflag:s12], $0x4000  }
0x273: {  	[sflag:s12] =	ssyncset.done $0x0  }
0x274: {  	[sflag:s12] =	ssyncadd.s32 $0xFFFFC000  }
0x275: {  	s25 =	sadd.s32 $0x1, s25  }
0x276: {  	p0 =	sne.s32 s25, s9  }
.Ltmp3:
0x277: {  	_ = 	snop;
	(pc) =	sbr.rel @p0 .LBB2_1-.Ltmp3, $1  }
0x278: {  	_ =	sdelay $0x3  }
0x279: {  	_ =	sfence.sel $0x180000  }
0x27a: {  	[bflag:$0x0] =	sbarrier.arrive $0xFFFF  }
0x27b: {  	p0 =	sne.s32 s3, $0x0;
	_ =	strace $0x90000047  }
0x27c: {  	s0 =	sadd.s32 @!p0 $0x100000, s0;
	[bflag:$0x2] =	sbarrier.arrive $0xFFFF  }
0x27d: {  	[sflag:s0] =	ssyncadd.tile.s32 @!p0 $0x1;
	_ =	shalt  }
.Lfunc_end2:
_tile_overlayer_lowered:
.L_overlay_start_2:
0x27e: {  	(tag) =	ssettag $0x2  }
0x27f: {  	s0 =	rddreg [dreg:$0x0];
	s2 =	stileid.u32  }
0x280: {  	s1 =	rddreg [dreg:$0x1];
	p0 =	sne.s32 s2, $0x0  }
0x281: {  	s3 =	rddreg [dreg:$0x2];
	[bflag:$0x3] =	sbarrier.arrive $0xFFFF;
	s2 =	simm.s32 @!p0 $0x1C02  }
0x282: {  	[timem:s3], [sflag:s2] =	dma.local @!p0 [hbm:s0], s1  }
0x283: {  	s0 =	simm.s32 @!p0 $0x2  }
0x284: {  	_ =	swait.ge @!p0 [sflag:s0], s1  }
0x285: {  	s1 =	ssub.s32 @!p0 $0x0, s1;
	[sflag:s0] =	ssyncset.done @!p0 $0x0  }
0x286: {  	[sflag:s0] =	ssyncadd.s32 @!p0 s1  }
0x287: {  	[bflag:$0x3] =	sbarrier.arrive $0xFFFF  }
0x288: {  	_ =	shalt  }

</sc_bundles>
